<compile_context>
chip_gen: v7x
topology: tpu7x:2x2x1
jax: 0.10.2.dev20260603
libtpu: 0.0.44.dev20260713+nightly
codegen_flags: <defaults>
</compile_context>

<pallas_src>
import functools

import jax
import jax.numpy as jnp
from jax import lax
from jax.experimental import pallas as pl
from jax.experimental.pallas import tpu as pltpu
from jax.experimental.pallas import tpu_sc as plsc

_N = 10000
_E = 320000
_H = 128
_NW = 32
_EPW = _E // _NW
_L = 16
_BLK = 2000
_GRID = _N // _BLK



def _detile_body(e_ref, out_ref):
    out_ref[...] = e_ref[0, :]


def _detile_src(edge_index):
    return pl.pallas_call(
        _detile_body,
        out_shape=jax.ShapeDtypeStruct((_E,), jnp.int32),
    )(edge_index)



_WPAD = 2048


def _sc_hist_body(src_hbm, out_hbm, idx_v, acc_v, sem):
    c = lax.axis_index("c")
    s = lax.axis_index("s")
    wid = s * 2 + c
    base = wid * _EPW
    cp = pltpu.async_copy(src_hbm.at[pl.ds(base, _EPW)], idx_v, sem)

    zeros = jnp.zeros((_L,), jnp.float32)

    def zero_body(i, carry):
        acc_v[pl.ds(pl.multiple_of(i * _L, _L), _L)] = zeros
        return carry

    lax.fori_loop(0, _N // _L, zero_body, 0, unroll=16)
    cp.wait()

    ones = jnp.ones((_L,), jnp.float32)

    def scat_body(i, carry):
        idx = idx_v[pl.ds(pl.multiple_of(i * _L, _L), _L)]
        plsc.addupdate_scatter(acc_v, [idx], ones)
        return carry

    lax.fori_loop(0, _EPW // _L, scat_body, 0, unroll=16)

    for i in range(_GRID):
        pltpu.sync_copy(acc_v.at[pl.ds(i * _BLK, _BLK)],
                        out_hbm.at[pl.ds((i * _NW + wid) * _WPAD, _BLK)])


def _sc_hist(src):
    mesh = plsc.VectorSubcoreMesh(core_axis_name="c", subcore_axis_name="s")
    f = functools.partial(
        pl.kernel,
        mesh=mesh,
        out_type=jax.ShapeDtypeStruct((_GRID * _NW * _WPAD,), jnp.float32),
        scratch_types=[
            pltpu.VMEM((_EPW,), jnp.int32),
            pltpu.VMEM((_N,), jnp.float32),
            pltpu.SemaphoreType.DMA,
        ],
        compiler_params=pltpu.CompilerParams(
            use_tc_tiling_on_sc=False, needs_layout_passes=False),
    )(_sc_hist_body)
    return f(src)



def _contract_t(a, bt):
    return lax.dot_general(a, bt, (((1,), (1,)), ((), ())),
                           preferred_element_type=jnp.float32)


def _tc_body(x_ref, part_ref, wp_ref, bp_ref, wu_ref, bu_ref,
             w1t_ref, b1_ref, w2t_ref, b2_ref, out_ref):
    x = x_ref[...]
    h = jnp.maximum(x @ wp_ref[...] + bp_ref[...], 0.0)
    t = jnp.tanh(h @ wu_ref[...][:_H] + bu_ref[...])
    deg = part_ref[pl.ds(0, _BLK)]
    for w in range(1, _NW):
        deg = deg + part_ref[pl.ds(w * _WPAD, _BLK)]
    s = t * deg[:, None]
    c = jnp.maximum(_contract_t(s, w1t_ref[...]) + b1_ref[...], 0.0)
    logit = jnp.sum(c * w2t_ref[...], axis=1, keepdims=True) + b2_ref[...]
    sig_row = lax.transpose(jax.nn.sigmoid(logit), (1, 0))
    out_ref[...] = sig_row.reshape(1, 1, _BLK)


def _tc_mlp(x, partials, W_prop, b_prop, W_upd, b_upd, W_cls1, b_cls1,
            W_cls2, b_cls2):
    n, d = x.shape
    cls = W_cls1.shape[1]
    full = lambda *shape: pl.BlockSpec(shape, lambda i: (0,) * len(shape))
    return pl.pallas_call(
        _tc_body,
        grid=(_GRID,),
        in_specs=[
            pl.BlockSpec((_BLK, d), lambda i: (i, 0)),
            pl.BlockSpec((_NW * _WPAD,), lambda i: (i,)),
            full(d, _H),
            full(1, _H),
            full(2 * _H, _H),
            full(1, _H),
            full(cls, _H),
            full(1, cls),
            full(1, cls),
            full(1, 1),
        ],
        out_specs=pl.BlockSpec((1, 1, _BLK), lambda i: (i, 0, 0)),
        out_shape=jax.ShapeDtypeStruct((_GRID, 1, _BLK), jnp.float32),
    )(x, partials, W_prop, b_prop.reshape(1, _H), W_upd,
      b_upd.reshape(1, _H), W_cls1.T, b_cls1.reshape(1, cls), W_cls2.T,
      b_cls2.reshape(1, 1))


def kernel(x, edge_index, edge_state, W_prop, b_prop, W_upd, b_upd,
           W_cls1, b_cls1, W_cls2, b_cls2):
    partials = _sc_hist(_detile_src(edge_index))
    out = _tc_mlp(x, partials, W_prop, b_prop, W_upd, b_upd,
                  W_cls1, b_cls1, W_cls2, b_cls2)
    return out.reshape(_N, 1)

# --- scband reference (transcript-rebuilt; emitter-appended) ---
"""Pipeline reference for scband-propagator-decimator-solver-base-6751688589787 (READ-ONLY COPY).

The authoritative reference and input builder live on the scoring server;
editing this copy changes nothing except your own understanding.
"""

import jax, jax.numpy as jnp
import numpy as np

N = 10000
E = 320000
D_FEAT = 128
HIDDEN = 128
CLS = 50
ITERS = 1


def setup_inputs(seed: int = 0) -> dict:
    key = jax.random.key(seed)
    ks = jax.random.split(key, 8)
    x = jax.random.normal(ks[0], (N, D_FEAT), dtype=jnp.float32)
    edge_index = jax.random.randint(ks[1], (2, E), 0, N, dtype=jnp.int32)
    edge_state = jnp.zeros((E, HIDDEN), dtype=jnp.float32)
    s1 = 1.0 / np.sqrt(D_FEAT)
    W_prop = jax.random.uniform(ks[2], (D_FEAT, HIDDEN), minval=-s1, maxval=s1, dtype=jnp.float32)
    b_prop = jnp.zeros((HIDDEN,), jnp.float32)
    s2 = 1.0 / np.sqrt(2 * HIDDEN)
    W_upd = jax.random.uniform(ks[3], (2 * HIDDEN, HIDDEN), minval=-s2, maxval=s2, dtype=jnp.float32)
    b_upd = jnp.zeros((HIDDEN,), jnp.float32)
    s3 = 1.0 / np.sqrt(HIDDEN)
    W_cls1 = jax.random.uniform(ks[4], (HIDDEN, CLS), minval=-s3, maxval=s3, dtype=jnp.float32)
    b_cls1 = jnp.zeros((CLS,), jnp.float32)
    s4 = 1.0 / np.sqrt(CLS)
    W_cls2 = jax.random.uniform(ks[5], (CLS, 1), minval=-s4, maxval=s4, dtype=jnp.float32)
    b_cls2 = jnp.zeros((1,), jnp.float32)
    return {"x": x, "edge_index": edge_index, "edge_state": edge_state,
            "W_prop": W_prop, "b_prop": b_prop, "W_upd": W_upd, "b_upd": b_upd,
            "W_cls1": W_cls1, "b_cls1": b_cls1, "W_cls2": W_cls2, "b_cls2": b_cls2}


def reference(x, edge_index, edge_state, W_prop, b_prop, W_upd, b_upd, W_cls1, b_cls1, W_cls2, b_cls2):
    # Survey-propagation style message passing on the variable/function factor graph.
    # edge_index[0] = variable (src) per edge, edge_index[1] = function (dst) per edge.
    src = edge_index[0]
    dst = edge_index[1]
    for _ in range(ITERS):
        # propagator: per-edge message from variable features (gather)
        h_src = jax.nn.relu(jnp.take(x, src, axis=0) @ W_prop + b_prop)
        # aggregate edge states at function nodes (scatter-add), then form cavity messages
        func_agg = jax.ops.segment_sum(edge_state, dst, num_segments=N)
        cavity = jnp.take(func_agg, dst, axis=0) - edge_state
        msg = h_src + cavity
        # decimator-state (per-edge hidden) update
        edge_state = jnp.tanh(jnp.concatenate([msg, edge_state], axis=-1) @ W_upd + b_upd)
    # predictor: aggregate edge states back at variable nodes, classify each variable
    node_hidden = jax.ops.segment_sum(edge_state, src, num_segments=N)
    h = jax.nn.relu(node_hidden @ W_cls1 + b_cls1)
    logits = h @ W_cls2 + b_cls2
    prediction = jax.nn.sigmoid(logits)
    return prediction

if __name__ == "__main__":
    import jax
    _d = setup_inputs()
    print(jax.jit(kernel)(*tuple(_d.values())))

</pallas_src>

<mosaic_0001>
#map = affine_map<(d0, d1) -> (0)>
module attributes {stable_mosaic.version = 14 : i64} {
  func.func @_sc_hist_body(%arg0: i32, %arg1: i32, %arg2: memref<320000xi32, #tpu.memory_space<hbm>>, %arg3: memref<327680xf32, #tpu.memory_space<hbm>>, %arg4: memref<10000xi32, #tpu.memory_space<vmem>>, %arg5: memref<10000xf32, #tpu.memory_space<vmem>>, %arg6: memref<!tpu.dma_semaphore, #tpu.memory_space<semaphore_mem>>) attributes {dimension_semantics = [#tpu.dimension_semantics<core_parallel>, #tpu.dimension_semantics<subcore_parallel>], iteration_bounds = array<i64: 2, 16>, scalar_prefetch = 0 : i64, scratch_operands = 3 : i64, tpu.core_type = #tpu.core_type<sc_vector_subcore>, window_params = [{transform_indices = #map}, {transform_indices = #map}]} {
    %mul3A = arith.constant 2 : i32
    %mul3A_0 = arith.muli %arg1, %mul3A : i32
    %add3A = arith.addi %mul3A_0, %arg0 : i32
    %mul3A_1 = arith.constant 10000 : i32
    %mul3A_2 = arith.muli %add3A, %mul3A_1 : i32
    %dma_start3A = tpu.memref_slice %arg2[%mul3A_2] : memref<320000xi32, #tpu.memory_space<hbm>> -> memref<10000xi32, #tpu.memory_space<hbm>>
    %dma_start3A_3 = tpu.memref_slice %arg2[%mul3A_2] : memref<320000xi32, #tpu.memory_space<hbm>> -> memref<10000xi32, #tpu.memory_space<hbm>>
    tpu.enqueue_dma source(%dma_start3A_3 : memref<10000xi32, #tpu.memory_space<hbm>>) target(%arg4 : memref<10000xi32, #tpu.memory_space<vmem>>) target_semaphore(%arg6 : memref<!tpu.dma_semaphore, #tpu.memory_space<semaphore_mem>>)
    %broadcast_in_dim3A = arith.constant 0.000000e+00 : f32
    %broadcast_in_dim3A_4 = vector.broadcast %broadcast_in_dim3A : f32 to vector<16xf32>
    %scan3A = arith.constant 0 : i32
    %scan3A_5 = arith.constant 0 : i32
    %scan3A_6 = arith.constant 624 : i32
    %scan3A_7 = arith.addi %scan3A_5, %scan3A_6 : i32
    %scan3A_8 = arith.constant 16 : i32
    scf.for %scan3A_50 = %scan3A_5 to %scan3A_7 step %scan3A_8  : i32 {
      %mul3A_51 = arith.constant 16 : i32
      %mul3A_52 = arith.muli %scan3A_50, %mul3A_51 : i32
      %multiple_of3A_53 = tpu.assume_multiple %mul3A_52, 16 : i32
      %swap3A_54 = arith.index_cast %multiple_of3A_53 : i32 to index
      %swap3A_55 = tpu.vector_load %arg5[%swap3A_54] {strides = array<i32>} : memref<10000xf32, #tpu.memory_space<vmem>>, vector<16xf32>,
      tpu.vector_store %arg5[%swap3A_54], %broadcast_in_dim3A_4 {strides = array<i32>} : memref<10000xf32, #tpu.memory_space<vmem>>, vector<16xf32>,
      %scan3A_56 = arith.constant 1 : i32
      %scan3A_57 = arith.addi %scan3A_50, %scan3A_56 : i32
      %mul3A_58 = arith.constant 16 : i32
      %mul3A_59 = arith.muli %scan3A_57, %mul3A_58 : i32
      %multiple_of3A_60 = tpu.assume_multiple %mul3A_59, 16 : i32
      %swap3A_61 = arith.index_cast %multiple_of3A_60 : i32 to index
      %swap3A_62 = tpu.vector_load %arg5[%swap3A_61] {strides = array<i32>} : memref<10000xf32, #tpu.memory_space<vmem>>, vector<16xf32>,
      tpu.vector_store %arg5[%swap3A_61], %broadcast_in_dim3A_4 {strides = array<i32>} : memref<10000xf32, #tpu.memory_space<vmem>>, vector<16xf32>,
      %scan3A_63 = arith.constant 2 : i32
      %scan3A_64 = arith.addi %scan3A_50, %scan3A_63 : i32
      %mul3A_65 = arith.constant 16 : i32
      %mul3A_66 = arith.muli %scan3A_64, %mul3A_65 : i32
      %multiple_of3A_67 = tpu.assume_multiple %mul3A_66, 16 : i32
      %swap3A_68 = arith.index_cast %multiple_of3A_67 : i32 to index
      %swap3A_69 = tpu.vector_load %arg5[%swap3A_68] {strides = array<i32>} : memref<10000xf32, #tpu.memory_space<vmem>>, vector<16xf32>,
      tpu.vector_store %arg5[%swap3A_68], %broadcast_in_dim3A_4 {strides = array<i32>} : memref<10000xf32, #tpu.memory_space<vmem>>, vector<16xf32>,
      %scan3A_70 = arith.constant 3 : i32
      %scan3A_71 = arith.addi %scan3A_50, %scan3A_70 : i32
      %mul3A_72 = arith.constant 16 : i32
      %mul3A_73 = arith.muli %scan3A_71, %mul3A_72 : i32
      %multiple_of3A_74 = tpu.assume_multiple %mul3A_73, 16 : i32
      %swap3A_75 = arith.index_cast %multiple_of3A_74 : i32 to index
      %swap3A_76 = tpu.vector_load %arg5[%swap3A_75] {strides = array<i32>} : memref<10000xf32, #tpu.memory_space<vmem>>, vector<16xf32>,
      tpu.vector_store %arg5[%swap3A_75], %broadcast_in_dim3A_4 {strides = array<i32>} : memref<10000xf32, #tpu.memory_space<vmem>>, vector<16xf32>,
      %scan3A_77 = arith.constant 4 : i32
      %scan3A_78 = arith.addi %scan3A_50, %scan3A_77 : i32
      %mul3A_79 = arith.constant 16 : i32
      %mul3A_80 = arith.muli %scan3A_78, %mul3A_79 : i32
      %multiple_of3A_81 = tpu.assume_multiple %mul3A_80, 16 : i32
      %swap3A_82 = arith.index_cast %multiple_of3A_81 : i32 to index
      %swap3A_83 = tpu.vector_load %arg5[%swap3A_82] {strides = array<i32>} : memref<10000xf32, #tpu.memory_space<vmem>>, vector<16xf32>,
      tpu.vector_store %arg5[%swap3A_82], %broadcast_in_dim3A_4 {strides = array<i32>} : memref<10000xf32, #tpu.memory_space<vmem>>, vector<16xf32>,
      %scan3A_84 = arith.constant 5 : i32
      %scan3A_85 = arith.addi %scan3A_50, %scan3A_84 : i32
      %mul3A_86 = arith.constant 16 : i32
      %mul3A_87 = arith.muli %scan3A_85, %mul3A_86 : i32
      %multiple_of3A_88 = tpu.assume_multiple %mul3A_87, 16 : i32
      %swap3A_89 = arith.index_cast %multiple_of3A_88 : i32 to index
      %swap3A_90 = tpu.vector_load %arg5[%swap3A_89] {strides = array<i32>} : memref<10000xf32, #tpu.memory_space<vmem>>, vector<16xf32>,
      tpu.vector_store %arg5[%swap3A_89], %broadcast_in_dim3A_4 {strides = array<i32>} : memref<10000xf32, #tpu.memory_space<vmem>>, vector<16xf32>,
      %scan3A_91 = arith.constant 6 : i32
      %scan3A_92 = arith.addi %scan3A_50, %scan3A_91 : i32
      %mul3A_93 = arith.constant 16 : i32
      %mul3A_94 = arith.muli %scan3A_92, %mul3A_93 : i32
      %multiple_of3A_95 = tpu.assume_multiple %mul3A_94, 16 : i32
      %swap3A_96 = arith.index_cast %multiple_of3A_95 : i32 to index
      %swap3A_97 = tpu.vector_load %arg5[%swap3A_96] {strides = array<i32>} : memref<10000xf32, #tpu.memory_space<vmem>>, vector<16xf32>,
      tpu.vector_store %arg5[%swap3A_96], %broadcast_in_dim3A_4 {strides = array<i32>} : memref<10000xf32, #tpu.memory_space<vmem>>, vector<16xf32>,
      %scan3A_98 = arith.constant 7 : i32
      %scan3A_99 = arith.addi %scan3A_50, %scan3A_98 : i32
      %mul3A_100 = arith.constant 16 : i32
      %mul3A_101 = arith.muli %scan3A_99, %mul3A_100 : i32
      %multiple_of3A_102 = tpu.assume_multiple %mul3A_101, 16 : i32
      %swap3A_103 = arith.index_cast %multiple_of3A_102 : i32 to index
      %swap3A_104 = tpu.vector_load %arg5[%swap3A_103] {strides = array<i32>} : memref<10000xf32, #tpu.memory_space<vmem>>, vector<16xf32>,
      tpu.vector_store %arg5[%swap3A_103], %broadcast_in_dim3A_4 {strides = array<i32>} : memref<10000xf32, #tpu.memory_space<vmem>>, vector<16xf32>,
      %scan3A_105 = arith.constant 8 : i32
      %scan3A_106 = arith.addi %scan3A_50, %scan3A_105 : i32
      %mul3A_107 = arith.constant 16 : i32
      %mul3A_108 = arith.muli %scan3A_106, %mul3A_107 : i32
      %multiple_of3A_109 = tpu.assume_multiple %mul3A_108, 16 : i32
      %swap3A_110 = arith.index_cast %multiple_of3A_109 : i32 to index
      %swap3A_111 = tpu.vector_load %arg5[%swap3A_110] {strides = array<i32>} : memref<10000xf32, #tpu.memory_space<vmem>>, vector<16xf32>,
      tpu.vector_store %arg5[%swap3A_110], %broadcast_in_dim3A_4 {strides = array<i32>} : memref<10000xf32, #tpu.memory_space<vmem>>, vector<16xf32>,
      %scan3A_112 = arith.constant 9 : i32
      %scan3A_113 = arith.addi %scan3A_50, %scan3A_112 : i32
      %mul3A_114 = arith.constant 16 : i32
      %mul3A_115 = arith.muli %scan3A_113, %mul3A_114 : i32
      %multiple_of3A_116 = tpu.assume_multiple %mul3A_115, 16 : i32
      %swap3A_117 = arith.index_cast %multiple_of3A_116 : i32 to index
      %swap3A_118 = tpu.vector_load %arg5[%swap3A_117] {strides = array<i32>} : memref<10000xf32, #tpu.memory_space<vmem>>, vector<16xf32>,
      tpu.vector_store %arg5[%swap3A_117], %broadcast_in_dim3A_4 {strides = array<i32>} : memref<10000xf32, #tpu.memory_space<vmem>>, vector<16xf32>,
      %scan3A_119 = arith.constant 10 : i32
      %scan3A_120 = arith.addi %scan3A_50, %scan3A_119 : i32
      %mul3A_121 = arith.constant 16 : i32
      %mul3A_122 = arith.muli %scan3A_120, %mul3A_121 : i32
      %multiple_of3A_123 = tpu.assume_multiple %mul3A_122, 16 : i32
      %swap3A_124 = arith.index_cast %multiple_of3A_123 : i32 to index
      %swap3A_125 = tpu.vector_load %arg5[%swap3A_124] {strides = array<i32>} : memref<10000xf32, #tpu.memory_space<vmem>>, vector<16xf32>,
      tpu.vector_store %arg5[%swap3A_124], %broadcast_in_dim3A_4 {strides = array<i32>} : memref<10000xf32, #tpu.memory_space<vmem>>, vector<16xf32>,
      %scan3A_126 = arith.constant 11 : i32
      %scan3A_127 = arith.addi %scan3A_50, %scan3A_126 : i32
      %mul3A_128 = arith.constant 16 : i32
      %mul3A_129 = arith.muli %scan3A_127, %mul3A_128 : i32
      %multiple_of3A_130 = tpu.assume_multiple %mul3A_129, 16 : i32
      %swap3A_131 = arith.index_cast %multiple_of3A_130 : i32 to index
      %swap3A_132 = tpu.vector_load %arg5[%swap3A_131] {strides = array<i32>} : memref<10000xf32, #tpu.memory_space<vmem>>, vector<16xf32>,
      tpu.vector_store %arg5[%swap3A_131], %broadcast_in_dim3A_4 {strides = array<i32>} : memref<10000xf32, #tpu.memory_space<vmem>>, vector<16xf32>,
      %scan3A_133 = arith.constant 12 : i32
      %scan3A_134 = arith.addi %scan3A_50, %scan3A_133 : i32
      %mul3A_135 = arith.constant 16 : i32
      %mul3A_136 = arith.muli %scan3A_134, %mul3A_135 : i32
      %multiple_of3A_137 = tpu.assume_multiple %mul3A_136, 16 : i32
      %swap3A_138 = arith.index_cast %multiple_of3A_137 : i32 to index
      %swap3A_139 = tpu.vector_load %arg5[%swap3A_138] {strides = array<i32>} : memref<10000xf32, #tpu.memory_space<vmem>>, vector<16xf32>,
      tpu.vector_store %arg5[%swap3A_138], %broadcast_in_dim3A_4 {strides = array<i32>} : memref<10000xf32, #tpu.memory_space<vmem>>, vector<16xf32>,
      %scan3A_140 = arith.constant 13 : i32
      %scan3A_141 = arith.addi %scan3A_50, %scan3A_140 : i32
      %mul3A_142 = arith.constant 16 : i32
      %mul3A_143 = arith.muli %scan3A_141, %mul3A_142 : i32
      %multiple_of3A_144 = tpu.assume_multiple %mul3A_143, 16 : i32
      %swap3A_145 = arith.index_cast %multiple_of3A_144 : i32 to index
      %swap3A_146 = tpu.vector_load %arg5[%swap3A_145] {strides = array<i32>} : memref<10000xf32, #tpu.memory_space<vmem>>, vector<16xf32>,
      tpu.vector_store %arg5[%swap3A_145], %broadcast_in_dim3A_4 {strides = array<i32>} : memref<10000xf32, #tpu.memory_space<vmem>>, vector<16xf32>,
      %scan3A_147 = arith.constant 14 : i32
      %scan3A_148 = arith.addi %scan3A_50, %scan3A_147 : i32
      %mul3A_149 = arith.constant 16 : i32
      %mul3A_150 = arith.muli %scan3A_148, %mul3A_149 : i32
      %multiple_of3A_151 = tpu.assume_multiple %mul3A_150, 16 : i32
      %swap3A_152 = arith.index_cast %multiple_of3A_151 : i32 to index
      %swap3A_153 = tpu.vector_load %arg5[%swap3A_152] {strides = array<i32>} : memref<10000xf32, #tpu.memory_space<vmem>>, vector<16xf32>,
      tpu.vector_store %arg5[%swap3A_152], %broadcast_in_dim3A_4 {strides = array<i32>} : memref<10000xf32, #tpu.memory_space<vmem>>, vector<16xf32>,
      %scan3A_154 = arith.constant 15 : i32
      %scan3A_155 = arith.addi %scan3A_50, %scan3A_154 : i32
      %mul3A_156 = arith.constant 16 : i32
      %mul3A_157 = arith.muli %scan3A_155, %mul3A_156 : i32
      %multiple_of3A_158 = tpu.assume_multiple %mul3A_157, 16 : i32
      %swap3A_159 = arith.index_cast %multiple_of3A_158 : i32 to index
      %swap3A_160 = tpu.vector_load %arg5[%swap3A_159] {strides = array<i32>} : memref<10000xf32, #tpu.memory_space<vmem>>, vector<16xf32>,
      tpu.vector_store %arg5[%swap3A_159], %broadcast_in_dim3A_4 {strides = array<i32>} : memref<10000xf32, #tpu.memory_space<vmem>>, vector<16xf32>,
    }
    %scan3A_9 = arith.constant 624 : i32
    %scan3A_10 = arith.addi %scan3A_5, %scan3A_9 : i32
    %mul3A_11 = arith.constant 16 : i32
    %mul3A_12 = arith.muli %scan3A_10, %mul3A_11 : i32
    %multiple_of3A = tpu.assume_multiple %mul3A_12, 16 : i32
    %swap3A = arith.index_cast %multiple_of3A : i32 to index
    %swap3A_13 = tpu.vector_load %arg5[%swap3A] {strides = array<i32>} : memref<10000xf32, #tpu.memory_space<vmem>>, vector<16xf32>,
    tpu.vector_store %arg5[%swap3A], %broadcast_in_dim3A_4 {strides = array<i32>} : memref<10000xf32, #tpu.memory_space<vmem>>, vector<16xf32>,
    %scan3A_14 = arith.constant 625 : i32
    %dma_wait3A = tpu.memref_slice %arg2[%mul3A_2] : memref<320000xi32, #tpu.memory_space<hbm>> -> memref<10000xi32, #tpu.memory_space<hbm>>
    %dma_wait3A_15 = tpu.memref_slice %arg2[%mul3A_2] : memref<320000xi32, #tpu.memory_space<hbm>> -> memref<10000xi32, #tpu.memory_space<hbm>>
    tpu.wait_dma2 semaphore(%arg6 : memref<!tpu.dma_semaphore, #tpu.memory_space<semaphore_mem>>) src(%dma_wait3A_15 : memref<10000xi32, #tpu.memory_space<hbm>>) dst(%arg4 : memref<10000xi32, #tpu.memory_space<vmem>>)
    %broadcast_in_dim3A_16 = arith.constant 1.000000e+00 : f32
    %broadcast_in_dim3A_17 = vector.broadcast %broadcast_in_dim3A_16 : f32 to vector<16xf32>
    %scan3A_18 = arith.constant 0 : i32
    %scan3A_19 = arith.constant 0 : i32
    %scan3A_20 = arith.constant 624 : i32
    %scan3A_21 = arith.addi %scan3A_19, %scan3A_20 : i32
    %scan3A_22 = arith.constant 16 : i32
    scf.for %scan3A_50 = %scan3A_19 to %scan3A_21 step %scan3A_22  : i32 {
      %mul3A_51 = arith.constant 16 : i32
      %mul3A_52 = arith.muli %scan3A_50, %mul3A_51 : i32
      %multiple_of3A_53 = tpu.assume_multiple %mul3A_52, 16 : i32
      %get3A_54 = arith.index_cast %multiple_of3A_53 : i32 to index
      %get3A_55 = tpu.vector_load %arg4[%get3A_54] {strides = array<i32>} : memref<10000xi32, #tpu.memory_space<vmem>>, vector<16xi32>,
      tpu.vector_store_idx %arg5[%get3A_55], %broadcast_in_dim3A_17 {add = true} : memref<10000xf32, #tpu.memory_space<vmem>>[vector<16xi32>], vector<16xf32>,
      %scan3A_56 = arith.constant 1 : i32
      %scan3A_57 = arith.addi %scan3A_50, %scan3A_56 : i32
      %mul3A_58 = arith.constant 16 : i32
      %mul3A_59 = arith.muli %scan3A_57, %mul3A_58 : i32
      %multiple_of3A_60 = tpu.assume_multiple %mul3A_59, 16 : i32
      %get3A_61 = arith.index_cast %multiple_of3A_60 : i32 to index
      %get3A_62 = tpu.vector_load %arg4[%get3A_61] {strides = array<i32>} : memref<10000xi32, #tpu.memory_space<vmem>>, vector<16xi32>,
      tpu.vector_store_idx %arg5[%get3A_62], %broadcast_in_dim3A_17 {add = true} : memref<10000xf32, #tpu.memory_space<vmem>>[vector<16xi32>], vector<16xf32>,
      %scan3A_63 = arith.constant 2 : i32
      %scan3A_64 = arith.addi %scan3A_50, %scan3A_63 : i32
      %mul3A_65 = arith.constant 16 : i32
      %mul3A_66 = arith.muli %scan3A_64, %mul3A_65 : i32
      %multiple_of3A_67 = tpu.assume_multiple %mul3A_66, 16 : i32
      %get3A_68 = arith.index_cast %multiple_of3A_67 : i32 to index
      %get3A_69 = tpu.vector_load %arg4[%get3A_68] {strides = array<i32>} : memref<10000xi32, #tpu.memory_space<vmem>>, vector<16xi32>,
      tpu.vector_store_idx %arg5[%get3A_69], %broadcast_in_dim3A_17 {add = true} : memref<10000xf32, #tpu.memory_space<vmem>>[vector<16xi32>], vector<16xf32>,
      %scan3A_70 = arith.constant 3 : i32
      %scan3A_71 = arith.addi %scan3A_50, %scan3A_70 : i32
      %mul3A_72 = arith.constant 16 : i32
      %mul3A_73 = arith.muli %scan3A_71, %mul3A_72 : i32
      %multiple_of3A_74 = tpu.assume_multiple %mul3A_73, 16 : i32
      %get3A_75 = arith.index_cast %multiple_of3A_74 : i32 to index
      %get3A_76 = tpu.vector_load %arg4[%get3A_75] {strides = array<i32>} : memref<10000xi32, #tpu.memory_space<vmem>>, vector<16xi32>,
      tpu.vector_store_idx %arg5[%get3A_76], %broadcast_in_dim3A_17 {add = true} : memref<10000xf32, #tpu.memory_space<vmem>>[vector<16xi32>], vector<16xf32>,
      %scan3A_77 = arith.constant 4 : i32
      %scan3A_78 = arith.addi %scan3A_50, %scan3A_77 : i32
      %mul3A_79 = arith.constant 16 : i32
      %mul3A_80 = arith.muli %scan3A_78, %mul3A_79 : i32
      %multiple_of3A_81 = tpu.assume_multiple %mul3A_80, 16 : i32
      %get3A_82 = arith.index_cast %multiple_of3A_81 : i32 to index
      %get3A_83 = tpu.vector_load %arg4[%get3A_82] {strides = array<i32>} : memref<10000xi32, #tpu.memory_space<vmem>>, vector<16xi32>,
      tpu.vector_store_idx %arg5[%get3A_83], %broadcast_in_dim3A_17 {add = true} : memref<10000xf32, #tpu.memory_space<vmem>>[vector<16xi32>], vector<16xf32>,
      %scan3A_84 = arith.constant 5 : i32
      %scan3A_85 = arith.addi %scan3A_50, %scan3A_84 : i32
      %mul3A_86 = arith.constant 16 : i32
      %mul3A_87 = arith.muli %scan3A_85, %mul3A_86 : i32
      %multiple_of3A_88 = tpu.assume_multiple %mul3A_87, 16 : i32
      %get3A_89 = arith.index_cast %multiple_of3A_88 : i32 to index
      %get3A_90 = tpu.vector_load %arg4[%get3A_89] {strides = array<i32>} : memref<10000xi32, #tpu.memory_space<vmem>>, vector<16xi32>,
      tpu.vector_store_idx %arg5[%get3A_90], %broadcast_in_dim3A_17 {add = true} : memref<10000xf32, #tpu.memory_space<vmem>>[vector<16xi32>], vector<16xf32>,
      %scan3A_91 = arith.constant 6 : i32
      %scan3A_92 = arith.addi %scan3A_50, %scan3A_91 : i32
      %mul3A_93 = arith.constant 16 : i32
      %mul3A_94 = arith.muli %scan3A_92, %mul3A_93 : i32
      %multiple_of3A_95 = tpu.assume_multiple %mul3A_94, 16 : i32
      %get3A_96 = arith.index_cast %multiple_of3A_95 : i32 to index
      %get3A_97 = tpu.vector_load %arg4[%get3A_96] {strides = array<i32>} : memref<10000xi32, #tpu.memory_space<vmem>>, vector<16xi32>,
      tpu.vector_store_idx %arg5[%get3A_97], %broadcast_in_dim3A_17 {add = true} : memref<10000xf32, #tpu.memory_space<vmem>>[vector<16xi32>], vector<16xf32>,
      %scan3A_98 = arith.constant 7 : i32
      %scan3A_99 = arith.addi %scan3A_50, %scan3A_98 : i32
      %mul3A_100 = arith.constant 16 : i32
      %mul3A_101 = arith.muli %scan3A_99, %mul3A_100 : i32
      %multiple_of3A_102 = tpu.assume_multiple %mul3A_101, 16 : i32
      %get3A_103 = arith.index_cast %multiple_of3A_102 : i32 to index
      %get3A_104 = tpu.vector_load %arg4[%get3A_103] {strides = array<i32>} : memref<10000xi32, #tpu.memory_space<vmem>>, vector<16xi32>,
      tpu.vector_store_idx %arg5[%get3A_104], %broadcast_in_dim3A_17 {add = true} : memref<10000xf32, #tpu.memory_space<vmem>>[vector<16xi32>], vector<16xf32>,
      %scan3A_105 = arith.constant 8 : i32
      %scan3A_106 = arith.addi %scan3A_50, %scan3A_105 : i32
      %mul3A_107 = arith.constant 16 : i32
      %mul3A_108 = arith.muli %scan3A_106, %mul3A_107 : i32
      %multiple_of3A_109 = tpu.assume_multiple %mul3A_108, 16 : i32
      %get3A_110 = arith.index_cast %multiple_of3A_109 : i32 to index
      %get3A_111 = tpu.vector_load %arg4[%get3A_110] {strides = array<i32>} : memref<10000xi32, #tpu.memory_space<vmem>>, vector<16xi32>,
      tpu.vector_store_idx %arg5[%get3A_111], %broadcast_in_dim3A_17 {add = true} : memref<10000xf32, #tpu.memory_space<vmem>>[vector<16xi32>], vector<16xf32>,
      %scan3A_112 = arith.constant 9 : i32
      %scan3A_113 = arith.addi %scan3A_50, %scan3A_112 : i32
      %mul3A_114 = arith.constant 16 : i32
      %mul3A_115 = arith.muli %scan3A_113, %mul3A_114 : i32
      %multiple_of3A_116 = tpu.assume_multiple %mul3A_115, 16 : i32
      %get3A_117 = arith.index_cast %multiple_of3A_116 : i32 to index
      %get3A_118 = tpu.vector_load %arg4[%get3A_117] {strides = array<i32>} : memref<10000xi32, #tpu.memory_space<vmem>>, vector<16xi32>,
      tpu.vector_store_idx %arg5[%get3A_118], %broadcast_in_dim3A_17 {add = true} : memref<10000xf32, #tpu.memory_space<vmem>>[vector<16xi32>], vector<16xf32>,
      %scan3A_119 = arith.constant 10 : i32
      %scan3A_120 = arith.addi %scan3A_50, %scan3A_119 : i32
      %mul3A_121 = arith.constant 16 : i32
      %mul3A_122 = arith.muli %scan3A_120, %mul3A_121 : i32
      %multiple_of3A_123 = tpu.assume_multiple %mul3A_122, 16 : i32
      %get3A_124 = arith.index_cast %multiple_of3A_123 : i32 to index
      %get3A_125 = tpu.vector_load %arg4[%get3A_124] {strides = array<i32>} : memref<10000xi32, #tpu.memory_space<vmem>>, vector<16xi32>,
      tpu.vector_store_idx %arg5[%get3A_125], %broadcast_in_dim3A_17 {add = true} : memref<10000xf32, #tpu.memory_space<vmem>>[vector<16xi32>], vector<16xf32>,
      %scan3A_126 = arith.constant 11 : i32
      %scan3A_127 = arith.addi %scan3A_50, %scan3A_126 : i32
      %mul3A_128 = arith.constant 16 : i32
      %mul3A_129 = arith.muli %scan3A_127, %mul3A_128 : i32
      %multiple_of3A_130 = tpu.assume_multiple %mul3A_129, 16 : i32
      %get3A_131 = arith.index_cast %multiple_of3A_130 : i32 to index
      %get3A_132 = tpu.vector_load %arg4[%get3A_131] {strides = array<i32>} : memref<10000xi32, #tpu.memory_space<vmem>>, vector<16xi32>,
      tpu.vector_store_idx %arg5[%get3A_132], %broadcast_in_dim3A_17 {add = true} : memref<10000xf32, #tpu.memory_space<vmem>>[vector<16xi32>], vector<16xf32>,
      %scan3A_133 = arith.constant 12 : i32
      %scan3A_134 = arith.addi %scan3A_50, %scan3A_133 : i32
      %mul3A_135 = arith.constant 16 : i32
      %mul3A_136 = arith.muli %scan3A_134, %mul3A_135 : i32
      %multiple_of3A_137 = tpu.assume_multiple %mul3A_136, 16 : i32
      %get3A_138 = arith.index_cast %multiple_of3A_137 : i32 to index
      %get3A_139 = tpu.vector_load %arg4[%get3A_138] {strides = array<i32>} : memref<10000xi32, #tpu.memory_space<vmem>>, vector<16xi32>,
      tpu.vector_store_idx %arg5[%get3A_139], %broadcast_in_dim3A_17 {add = true} : memref<10000xf32, #tpu.memory_space<vmem>>[vector<16xi32>], vector<16xf32>,
      %scan3A_140 = arith.constant 13 : i32
      %scan3A_141 = arith.addi %scan3A_50, %scan3A_140 : i32
      %mul3A_142 = arith.constant 16 : i32
      %mul3A_143 = arith.muli %scan3A_141, %mul3A_142 : i32
      %multiple_of3A_144 = tpu.assume_multiple %mul3A_143, 16 : i32
      %get3A_145 = arith.index_cast %multiple_of3A_144 : i32 to index
      %get3A_146 = tpu.vector_load %arg4[%get3A_145] {strides = array<i32>} : memref<10000xi32, #tpu.memory_space<vmem>>, vector<16xi32>,
      tpu.vector_store_idx %arg5[%get3A_146], %broadcast_in_dim3A_17 {add = true} : memref<10000xf32, #tpu.memory_space<vmem>>[vector<16xi32>], vector<16xf32>,
      %scan3A_147 = arith.constant 14 : i32
      %scan3A_148 = arith.addi %scan3A_50, %scan3A_147 : i32
      %mul3A_149 = arith.constant 16 : i32
      %mul3A_150 = arith.muli %scan3A_148, %mul3A_149 : i32
      %multiple_of3A_151 = tpu.assume_multiple %mul3A_150, 16 : i32
      %get3A_152 = arith.index_cast %multiple_of3A_151 : i32 to index
      %get3A_153 = tpu.vector_load %arg4[%get3A_152] {strides = array<i32>} : memref<10000xi32, #tpu.memory_space<vmem>>, vector<16xi32>,
      tpu.vector_store_idx %arg5[%get3A_153], %broadcast_in_dim3A_17 {add = true} : memref<10000xf32, #tpu.memory_space<vmem>>[vector<16xi32>], vector<16xf32>,
      %scan3A_154 = arith.constant 15 : i32
      %scan3A_155 = arith.addi %scan3A_50, %scan3A_154 : i32
      %mul3A_156 = arith.constant 16 : i32
      %mul3A_157 = arith.muli %scan3A_155, %mul3A_156 : i32
      %multiple_of3A_158 = tpu.assume_multiple %mul3A_157, 16 : i32
      %get3A_159 = arith.index_cast %multiple_of3A_158 : i32 to index
      %get3A_160 = tpu.vector_load %arg4[%get3A_159] {strides = array<i32>} : memref<10000xi32, #tpu.memory_space<vmem>>, vector<16xi32>,
      tpu.vector_store_idx %arg5[%get3A_160], %broadcast_in_dim3A_17 {add = true} : memref<10000xf32, #tpu.memory_space<vmem>>[vector<16xi32>], vector<16xf32>,
    }
    %scan3A_23 = arith.constant 624 : i32
    %scan3A_24 = arith.addi %scan3A_19, %scan3A_23 : i32
    %mul3A_25 = arith.constant 16 : i32
    %mul3A_26 = arith.muli %scan3A_24, %mul3A_25 : i32
    %multiple_of3A_27 = tpu.assume_multiple %mul3A_26, 16 : i32
    %get3A = arith.index_cast %multiple_of3A_27 : i32 to index
    %get3A_28 = tpu.vector_load %arg4[%get3A] {strides = array<i32>} : memref<10000xi32, #tpu.memory_space<vmem>>, vector<16xi32>,
    tpu.vector_store_idx %arg5[%get3A_28], %broadcast_in_dim3A_17 {add = true} : memref<10000xf32, #tpu.memory_space<vmem>>[vector<16xi32>], vector<16xf32>,
    %scan3A_29 = arith.constant 625 : i32
    %add3A_30 = arith.constant 0 : i32
    %add3A_31 = arith.addi %add3A_30, %add3A : i32
    %mul3A_32 = arith.constant 2048 : i32
    %mul3A_33 = arith.muli %add3A_31, %mul3A_32 : i32
    "tpu.region"() ({
      %run_scoped3A = tpu.sem_alloc : memref<!tpu.dma_semaphore, #tpu.memory_space<semaphore_mem>>
      %dma_start3A_50 = arith.constant 0 : i32
      %dma_start3A_51 = tpu.memref_slice %arg5[%dma_start3A_50] : memref<10000xf32, #tpu.memory_space<vmem>> -> memref<2000xf32, #tpu.memory_space<vmem>>
      %dma_start3A_52 = tpu.memref_slice %arg3[%mul3A_33] : memref<327680xf32, #tpu.memory_space<hbm>> -> memref<2000xf32, #tpu.memory_space<hbm>>
      %dma_start3A_53 = tpu.memref_slice %arg3[%mul3A_33] : memref<327680xf32, #tpu.memory_space<hbm>> -> memref<2000xf32, #tpu.memory_space<hbm>>
      %dma_start3A_54 = arith.constant 0 : i32
      %dma_start3A_55 = tpu.memref_slice %arg5[%dma_start3A_54] : memref<10000xf32, #tpu.memory_space<vmem>> -> memref<2000xf32, #tpu.memory_space<vmem>>
      tpu.enqueue_dma source(%dma_start3A_55 : memref<2000xf32, #tpu.memory_space<vmem>>) target(%dma_start3A_53 : memref<2000xf32, #tpu.memory_space<hbm>>) target_semaphore(%run_scoped3A : memref<!tpu.dma_semaphore, #tpu.memory_space<semaphore_mem>>)
      %dma_wait3A_56 = arith.constant 0 : i32
      %dma_wait3A_57 = tpu.memref_slice %arg5[%dma_wait3A_56] : memref<10000xf32, #tpu.memory_space<vmem>> -> memref<2000xf32, #tpu.memory_space<vmem>>
      %dma_wait3A_58 = tpu.memref_slice %arg3[%mul3A_33] : memref<327680xf32, #tpu.memory_space<hbm>> -> memref<2000xf32, #tpu.memory_space<hbm>>
      %dma_wait3A_59 = tpu.memref_slice %arg3[%mul3A_33] : memref<327680xf32, #tpu.memory_space<hbm>> -> memref<2000xf32, #tpu.memory_space<hbm>>
      %dma_wait3A_60 = arith.constant 0 : i32
      %dma_wait3A_61 = tpu.memref_slice %arg5[%dma_wait3A_60] : memref<10000xf32, #tpu.memory_space<vmem>> -> memref<2000xf32, #tpu.memory_space<vmem>>
      tpu.wait_dma2 semaphore(%run_scoped3A : memref<!tpu.dma_semaphore, #tpu.memory_space<semaphore_mem>>) src(%dma_wait3A_61 : memref<2000xf32, #tpu.memory_space<vmem>>) dst(%dma_wait3A_59 : memref<2000xf32, #tpu.memory_space<hbm>>)
      tpu.yield
    }) : () -> ()
    %add3A_34 = arith.constant 32 : i32
    %add3A_35 = arith.addi %add3A_34, %add3A : i32
    %mul3A_36 = arith.constant 2048 : i32
    %mul3A_37 = arith.muli %add3A_35, %mul3A_36 : i32
    "tpu.region"() ({
      %run_scoped3A = tpu.sem_alloc : memref<!tpu.dma_semaphore, #tpu.memory_space<semaphore_mem>>
      %dma_start3A_50 = arith.constant 2000 : i32
      %dma_start3A_51 = tpu.memref_slice %arg5[%dma_start3A_50] : memref<10000xf32, #tpu.memory_space<vmem>> -> memref<2000xf32, #tpu.memory_space<vmem>>
      %dma_start3A_52 = tpu.memref_slice %arg3[%mul3A_37] : memref<327680xf32, #tpu.memory_space<hbm>> -> memref<2000xf32, #tpu.memory_space<hbm>>
      %dma_start3A_53 = tpu.memref_slice %arg3[%mul3A_37] : memref<327680xf32, #tpu.memory_space<hbm>> -> memref<2000xf32, #tpu.memory_space<hbm>>
      %dma_start3A_54 = arith.constant 2000 : i32
      %dma_start3A_55 = tpu.memref_slice %arg5[%dma_start3A_54] : memref<10000xf32, #tpu.memory_space<vmem>> -> memref<2000xf32, #tpu.memory_space<vmem>>
      tpu.enqueue_dma source(%dma_start3A_55 : memref<2000xf32, #tpu.memory_space<vmem>>) target(%dma_start3A_53 : memref<2000xf32, #tpu.memory_space<hbm>>) target_semaphore(%run_scoped3A : memref<!tpu.dma_semaphore, #tpu.memory_space<semaphore_mem>>)
      %dma_wait3A_56 = arith.constant 2000 : i32
      %dma_wait3A_57 = tpu.memref_slice %arg5[%dma_wait3A_56] : memref<10000xf32, #tpu.memory_space<vmem>> -> memref<2000xf32, #tpu.memory_space<vmem>>
      %dma_wait3A_58 = tpu.memref_slice %arg3[%mul3A_37] : memref<327680xf32, #tpu.memory_space<hbm>> -> memref<2000xf32, #tpu.memory_space<hbm>>
      %dma_wait3A_59 = tpu.memref_slice %arg3[%mul3A_37] : memref<327680xf32, #tpu.memory_space<hbm>> -> memref<2000xf32, #tpu.memory_space<hbm>>
      %dma_wait3A_60 = arith.constant 2000 : i32
      %dma_wait3A_61 = tpu.memref_slice %arg5[%dma_wait3A_60] : memref<10000xf32, #tpu.memory_space<vmem>> -> memref<2000xf32, #tpu.memory_space<vmem>>
      tpu.wait_dma2 semaphore(%run_scoped3A : memref<!tpu.dma_semaphore, #tpu.memory_space<semaphore_mem>>) src(%dma_wait3A_61 : memref<2000xf32, #tpu.memory_space<vmem>>) dst(%dma_wait3A_59 : memref<2000xf32, #tpu.memory_space<hbm>>)
      tpu.yield
    }) : () -> ()
    %add3A_38 = arith.constant 64 : i32
    %add3A_39 = arith.addi %add3A_38, %add3A : i32
    %mul3A_40 = arith.constant 2048 : i32
    %mul3A_41 = arith.muli %add3A_39, %mul3A_40 : i32
    "tpu.region"() ({
      %run_scoped3A = tpu.sem_alloc : memref<!tpu.dma_semaphore, #tpu.memory_space<semaphore_mem>>
      %dma_start3A_50 = arith.constant 4000 : i32
      %dma_start3A_51 = tpu.memref_slice %arg5[%dma_start3A_50] : memref<10000xf32, #tpu.memory_space<vmem>> -> memref<2000xf32, #tpu.memory_space<vmem>>
      %dma_start3A_52 = tpu.memref_slice %arg3[%mul3A_41] : memref<327680xf32, #tpu.memory_space<hbm>> -> memref<2000xf32, #tpu.memory_space<hbm>>
      %dma_start3A_53 = tpu.memref_slice %arg3[%mul3A_41] : memref<327680xf32, #tpu.memory_space<hbm>> -> memref<2000xf32, #tpu.memory_space<hbm>>
      %dma_start3A_54 = arith.constant 4000 : i32
      %dma_start3A_55 = tpu.memref_slice %arg5[%dma_start3A_54] : memref<10000xf32, #tpu.memory_space<vmem>> -> memref<2000xf32, #tpu.memory_space<vmem>>
      tpu.enqueue_dma source(%dma_start3A_55 : memref<2000xf32, #tpu.memory_space<vmem>>) target(%dma_start3A_53 : memref<2000xf32, #tpu.memory_space<hbm>>) target_semaphore(%run_scoped3A : memref<!tpu.dma_semaphore, #tpu.memory_space<semaphore_mem>>)
      %dma_wait3A_56 = arith.constant 4000 : i32
      %dma_wait3A_57 = tpu.memref_slice %arg5[%dma_wait3A_56] : memref<10000xf32, #tpu.memory_space<vmem>> -> memref<2000xf32, #tpu.memory_space<vmem>>
      %dma_wait3A_58 = tpu.memref_slice %arg3[%mul3A_41] : memref<327680xf32, #tpu.memory_space<hbm>> -> memref<2000xf32, #tpu.memory_space<hbm>>
      %dma_wait3A_59 = tpu.memref_slice %arg3[%mul3A_41] : memref<327680xf32, #tpu.memory_space<hbm>> -> memref<2000xf32, #tpu.memory_space<hbm>>
      %dma_wait3A_60 = arith.constant 4000 : i32
      %dma_wait3A_61 = tpu.memref_slice %arg5[%dma_wait3A_60] : memref<10000xf32, #tpu.memory_space<vmem>> -> memref<2000xf32, #tpu.memory_space<vmem>>
      tpu.wait_dma2 semaphore(%run_scoped3A : memref<!tpu.dma_semaphore, #tpu.memory_space<semaphore_mem>>) src(%dma_wait3A_61 : memref<2000xf32, #tpu.memory_space<vmem>>) dst(%dma_wait3A_59 : memref<2000xf32, #tpu.memory_space<hbm>>)
      tpu.yield
    }) : () -> ()
    %add3A_42 = arith.constant 96 : i32
    %add3A_43 = arith.addi %add3A_42, %add3A : i32
    %mul3A_44 = arith.constant 2048 : i32
    %mul3A_45 = arith.muli %add3A_43, %mul3A_44 : i32
    "tpu.region"() ({
      %run_scoped3A = tpu.sem_alloc : memref<!tpu.dma_semaphore, #tpu.memory_space<semaphore_mem>>
      %dma_start3A_50 = arith.constant 6000 : i32
      %dma_start3A_51 = tpu.memref_slice %arg5[%dma_start3A_50] : memref<10000xf32, #tpu.memory_space<vmem>> -> memref<2000xf32, #tpu.memory_space<vmem>>
      %dma_start3A_52 = tpu.memref_slice %arg3[%mul3A_45] : memref<327680xf32, #tpu.memory_space<hbm>> -> memref<2000xf32, #tpu.memory_space<hbm>>
      %dma_start3A_53 = tpu.memref_slice %arg3[%mul3A_45] : memref<327680xf32, #tpu.memory_space<hbm>> -> memref<2000xf32, #tpu.memory_space<hbm>>
      %dma_start3A_54 = arith.constant 6000 : i32
      %dma_start3A_55 = tpu.memref_slice %arg5[%dma_start3A_54] : memref<10000xf32, #tpu.memory_space<vmem>> -> memref<2000xf32, #tpu.memory_space<vmem>>
      tpu.enqueue_dma source(%dma_start3A_55 : memref<2000xf32, #tpu.memory_space<vmem>>) target(%dma_start3A_53 : memref<2000xf32, #tpu.memory_space<hbm>>) target_semaphore(%run_scoped3A : memref<!tpu.dma_semaphore, #tpu.memory_space<semaphore_mem>>)
      %dma_wait3A_56 = arith.constant 6000 : i32
      %dma_wait3A_57 = tpu.memref_slice %arg5[%dma_wait3A_56] : memref<10000xf32, #tpu.memory_space<vmem>> -> memref<2000xf32, #tpu.memory_space<vmem>>
      %dma_wait3A_58 = tpu.memref_slice %arg3[%mul3A_45] : memref<327680xf32, #tpu.memory_space<hbm>> -> memref<2000xf32, #tpu.memory_space<hbm>>
      %dma_wait3A_59 = tpu.memref_slice %arg3[%mul3A_45] : memref<327680xf32, #tpu.memory_space<hbm>> -> memref<2000xf32, #tpu.memory_space<hbm>>
      %dma_wait3A_60 = arith.constant 6000 : i32
      %dma_wait3A_61 = tpu.memref_slice %arg5[%dma_wait3A_60] : memref<10000xf32, #tpu.memory_space<vmem>> -> memref<2000xf32, #tpu.memory_space<vmem>>
      tpu.wait_dma2 semaphore(%run_scoped3A : memref<!tpu.dma_semaphore, #tpu.memory_space<semaphore_mem>>) src(%dma_wait3A_61 : memref<2000xf32, #tpu.memory_space<vmem>>) dst(%dma_wait3A_59 : memref<2000xf32, #tpu.memory_space<hbm>>)
      tpu.yield
    }) : () -> ()
    %add3A_46 = arith.constant 128 : i32
    %add3A_47 = arith.addi %add3A_46, %add3A : i32
    %mul3A_48 = arith.constant 2048 : i32
    %mul3A_49 = arith.muli %add3A_47, %mul3A_48 : i32
    "tpu.region"() ({
      %run_scoped3A = tpu.sem_alloc : memref<!tpu.dma_semaphore, #tpu.memory_space<semaphore_mem>>
      %dma_start3A_50 = arith.constant 8000 : i32
      %dma_start3A_51 = tpu.memref_slice %arg5[%dma_start3A_50] : memref<10000xf32, #tpu.memory_space<vmem>> -> memref<2000xf32, #tpu.memory_space<vmem>>
      %dma_start3A_52 = tpu.memref_slice %arg3[%mul3A_49] : memref<327680xf32, #tpu.memory_space<hbm>> -> memref<2000xf32, #tpu.memory_space<hbm>>
      %dma_start3A_53 = tpu.memref_slice %arg3[%mul3A_49] : memref<327680xf32, #tpu.memory_space<hbm>> -> memref<2000xf32, #tpu.memory_space<hbm>>
      %dma_start3A_54 = arith.constant 8000 : i32
      %dma_start3A_55 = tpu.memref_slice %arg5[%dma_start3A_54] : memref<10000xf32, #tpu.memory_space<vmem>> -> memref<2000xf32, #tpu.memory_space<vmem>>
      tpu.enqueue_dma source(%dma_start3A_55 : memref<2000xf32, #tpu.memory_space<vmem>>) target(%dma_start3A_53 : memref<2000xf32, #tpu.memory_space<hbm>>) target_semaphore(%run_scoped3A : memref<!tpu.dma_semaphore, #tpu.memory_space<semaphore_mem>>)
      %dma_wait3A_56 = arith.constant 8000 : i32
      %dma_wait3A_57 = tpu.memref_slice %arg5[%dma_wait3A_56] : memref<10000xf32, #tpu.memory_space<vmem>> -> memref<2000xf32, #tpu.memory_space<vmem>>
      %dma_wait3A_58 = tpu.memref_slice %arg3[%mul3A_49] : memref<327680xf32, #tpu.memory_space<hbm>> -> memref<2000xf32, #tpu.memory_space<hbm>>
      %dma_wait3A_59 = tpu.memref_slice %arg3[%mul3A_49] : memref<327680xf32, #tpu.memory_space<hbm>> -> memref<2000xf32, #tpu.memory_space<hbm>>
      %dma_wait3A_60 = arith.constant 8000 : i32
      %dma_wait3A_61 = tpu.memref_slice %arg5[%dma_wait3A_60] : memref<10000xf32, #tpu.memory_space<vmem>> -> memref<2000xf32, #tpu.memory_space<vmem>>
      tpu.wait_dma2 semaphore(%run_scoped3A : memref<!tpu.dma_semaphore, #tpu.memory_space<semaphore_mem>>) src(%dma_wait3A_61 : memref<2000xf32, #tpu.memory_space<vmem>>) dst(%dma_wait3A_59 : memref<2000xf32, #tpu.memory_space<hbm>>)
      tpu.yield
    }) : () -> ()
    return
  }
}

module attributes {stable_mosaic.version = 14 : i64} {
  func.func @_detile_body(%arg0: memref<2x320000xi32, #tpu.memory_space<vmem>>, %arg1: memref<320000xi32, #tpu.memory_space<vmem>>) attributes {dimension_semantics = [], scalar_prefetch = 0 : i64, scratch_operands = 0 : i64, tpu.core_type = #tpu.core_type<tc>} {
    %get3A = arith.constant 0 : index
    %get3A_0 = arith.constant 0 : index
    %get3A_1 = vector.load %arg0[%get3A, %get3A_0] : memref<2x320000xi32, #tpu.memory_space<vmem>>, vector<1x320000xi32>
    %get3A_2 = vector.shape_cast %get3A_1 : vector<1x320000xi32> to vector<320000xi32>
    %swap3A = arith.constant 0 : index
    %swap3A_3 = vector.load %arg1[%swap3A] : memref<320000xi32, #tpu.memory_space<vmem>>, vector<320000xi32>
    tpu.vector_store %arg1[%swap3A], %get3A_2 {strides = array<i32>} : memref<320000xi32, #tpu.memory_space<vmem>>, vector<320000xi32>,
    return
  }
}

module attributes {stable_mosaic.version = 14 : i64} {
  func.func @_tc_body(%arg0: i32, %arg1: memref<2000x128xf32, #tpu.memory_space<vmem>>, %arg2: memref<65536xf32, #tpu.memory_space<vmem>>, %arg3: memref<128x128xf32, #tpu.memory_space<vmem>>, %arg4: memref<1x128xf32, #tpu.memory_space<vmem>>, %arg5: memref<256x128xf32, #tpu.memory_space<vmem>>, %arg6: memref<1x128xf32, #tpu.memory_space<vmem>>, %arg7: memref<50x128xf32, #tpu.memory_space<vmem>>, %arg8: memref<1x50xf32, #tpu.memory_space<vmem>>, %arg9: memref<1x50xf32, #tpu.memory_space<vmem>>, %arg10: memref<1x1xf32, #tpu.memory_space<vmem>>, %arg11: memref<1x1x2000xf32, #tpu.memory_space<vmem>>) attributes {dimension_semantics = [#tpu.dimension_semantics<arbitrary>], iteration_bounds = array<i64: 5>, scalar_prefetch = 0 : i64, scratch_operands = 0 : i64, tpu.core_type = #tpu.core_type<tc>, window_params = [{transform_indices = @transform_0, window_bounds = array<i64: 2000, 128>}, {transform_indices = @transform_1, window_bounds = array<i64: 65536>}, {pipeline_mode = #tpu.pipeline_mode<synchronous>, transform_indices = @transform_2, window_bounds = array<i64: 128, 128>}, {pipeline_mode = #tpu.pipeline_mode<synchronous>, transform_indices = @transform_3, window_bounds = array<i64: 1, 128>}, {pipeline_mode = #tpu.pipeline_mode<synchronous>, transform_indices = @transform_4, window_bounds = array<i64: 256, 128>}, {pipeline_mode = #tpu.pipeline_mode<synchronous>, transform_indices = @transform_5, window_bounds = array<i64: 1, 128>}, {pipeline_mode = #tpu.pipeline_mode<synchronous>, transform_indices = @transform_6, window_bounds = array<i64: 50, 128>}, {pipeline_mode = #tpu.pipeline_mode<synchronous>, transform_indices = @transform_7, window_bounds = array<i64: 1, 50>}, {pipeline_mode = #tpu.pipeline_mode<synchronous>, transform_indices = @transform_8, window_bounds = array<i64: 1, 50>}, {pipeline_mode = #tpu.pipeline_mode<synchronous>, transform_indices = @transform_9, window_bounds = array<i64: 1, 1>}, {transform_indices = @transform_10, window_bounds = array<i64: 1, 1, 2000>}]} {
    %get3A = arith.constant 0 : index
    %get3A_0 = arith.constant 0 : index
    %get3A_1 = vector.load %arg1[%get3A, %get3A_0] : memref<2000x128xf32, #tpu.memory_space<vmem>>, vector<2000x128xf32>
    %get3A_2 = arith.constant 0 : index
    %get3A_3 = arith.constant 0 : index
    %get3A_4 = vector.load %arg3[%get3A_2, %get3A_3] : memref<128x128xf32, #tpu.memory_space<vmem>>, vector<128x128xf32>
    %dot_general3A = arith.constant dense<0.000000e+00> : vector<2000x128xf32>
    %dot_general3A_5 = tpu.matmul %get3A_1, %get3A_4, %dot_general3A {dimension_numbers = #tpu.dot_dimension_numbers<[1], [0], [0], [1], [0, 0, 1, 1], [], []>, transpose_lhs_hint = false} : vector<2000x128xf32>, vector<128x128xf32>, vector<2000x128xf32> -> vector<2000x128xf32>
    %get3A_6 = arith.constant 0 : index
    %get3A_7 = arith.constant 0 : index
    %get3A_8 = vector.load %arg4[%get3A_6, %get3A_7] : memref<1x128xf32, #tpu.memory_space<vmem>>, vector<1x128xf32>
    %add3A = vector.broadcast %get3A_8 : vector<1x128xf32> to vector<2000x128xf32>
    %add3A_9 = arith.addf %dot_general3A_5, %add3A : vector<2000x128xf32>
    %max3A = arith.constant 0.000000e+00 : f32
    %max3A_10 = vector.broadcast %max3A : f32 to vector<2000x128xf32>
    %max3A_11 = arith.maximumf %add3A_9, %max3A_10 : vector<2000x128xf32>
    %get3A_12 = arith.constant 0 : index
    %get3A_13 = arith.constant 0 : index
    %get3A_14 = vector.load %arg5[%get3A_12, %get3A_13] : memref<256x128xf32, #tpu.memory_space<vmem>>, vector<256x128xf32>
    %slice3A = vector.extract_strided_slice %get3A_14 {offsets = [0, 0], sizes = [128, 128], strides = [1, 1]} : vector<256x128xf32> to vector<128x128xf32>
    %dot_general3A_15 = arith.constant dense<0.000000e+00> : vector<2000x128xf32>
    %dot_general3A_16 = tpu.matmul %max3A_11, %slice3A, %dot_general3A_15 {dimension_numbers = #tpu.dot_dimension_numbers<[1], [0], [0], [1], [0, 0, 1, 1], [], []>, transpose_lhs_hint = false} : vector<2000x128xf32>, vector<128x128xf32>, vector<2000x128xf32> -> vector<2000x128xf32>
    %get3A_17 = arith.constant 0 : index
    %get3A_18 = arith.constant 0 : index
    %get3A_19 = vector.load %arg6[%get3A_17, %get3A_18] : memref<1x128xf32, #tpu.memory_space<vmem>>, vector<1x128xf32>
    %add3A_20 = vector.broadcast %get3A_19 : vector<1x128xf32> to vector<2000x128xf32>
    %add3A_21 = arith.addf %dot_general3A_16, %add3A_20 : vector<2000x128xf32>
    %tanh3A = math.tanh %add3A_21 : vector<2000x128xf32>
    %get3A_22 = arith.constant 0 : index
    %get3A_23 = vector.load %arg2[%get3A_22] : memref<65536xf32, #tpu.memory_space<vmem>>, vector<2000xf32>
    %get3A_24 = arith.constant 2048 : index
    %get3A_25 = vector.load %arg2[%get3A_24] : memref<65536xf32, #tpu.memory_space<vmem>>, vector<2000xf32>
    %add3A_26 = arith.addf %get3A_23, %get3A_25 : vector<2000xf32>
    %get3A_27 = arith.constant 4096 : index
    %get3A_28 = vector.load %arg2[%get3A_27] : memref<65536xf32, #tpu.memory_space<vmem>>, vector<2000xf32>
    %add3A_29 = arith.addf %add3A_26, %get3A_28 : vector<2000xf32>
    %get3A_30 = arith.constant 6144 : index
    %get3A_31 = vector.load %arg2[%get3A_30] : memref<65536xf32, #tpu.memory_space<vmem>>, vector<2000xf32>
    %add3A_32 = arith.addf %add3A_29, %get3A_31 : vector<2000xf32>
    %get3A_33 = arith.constant 8192 : index
    %get3A_34 = vector.load %arg2[%get3A_33] : memref<65536xf32, #tpu.memory_space<vmem>>, vector<2000xf32>
    %add3A_35 = arith.addf %add3A_32, %get3A_34 : vector<2000xf32>
    %get3A_36 = arith.constant 10240 : index
    %get3A_37 = vector.load %arg2[%get3A_36] : memref<65536xf32, #tpu.memory_space<vmem>>, vector<2000xf32>
    %add3A_38 = arith.addf %add3A_35, %get3A_37 : vector<2000xf32>
    %get3A_39 = arith.constant 12288 : index
    %get3A_40 = vector.load %arg2[%get3A_39] : memref<65536xf32, #tpu.memory_space<vmem>>, vector<2000xf32>
    %add3A_41 = arith.addf %add3A_38, %get3A_40 : vector<2000xf32>
    %get3A_42 = arith.constant 14336 : index
    %get3A_43 = vector.load %arg2[%get3A_42] : memref<65536xf32, #tpu.memory_space<vmem>>, vector<2000xf32>
    %add3A_44 = arith.addf %add3A_41, %get3A_43 : vector<2000xf32>
    %get3A_45 = arith.constant 16384 : index
    %get3A_46 = vector.load %arg2[%get3A_45] : memref<65536xf32, #tpu.memory_space<vmem>>, vector<2000xf32>
    %add3A_47 = arith.addf %add3A_44, %get3A_46 : vector<2000xf32>
    %get3A_48 = arith.constant 18432 : index
    %get3A_49 = vector.load %arg2[%get3A_48] : memref<65536xf32, #tpu.memory_space<vmem>>, vector<2000xf32>
    %add3A_50 = arith.addf %add3A_47, %get3A_49 : vector<2000xf32>
    %get3A_51 = arith.constant 20480 : index
    %get3A_52 = vector.load %arg2[%get3A_51] : memref<65536xf32, #tpu.memory_space<vmem>>, vector<2000xf32>
    %add3A_53 = arith.addf %add3A_50, %get3A_52 : vector<2000xf32>
    %get3A_54 = arith.constant 22528 : index
    %get3A_55 = vector.load %arg2[%get3A_54] : memref<65536xf32, #tpu.memory_space<vmem>>, vector<2000xf32>
    %add3A_56 = arith.addf %add3A_53, %get3A_55 : vector<2000xf32>
    %get3A_57 = arith.constant 24576 : index
    %get3A_58 = vector.load %arg2[%get3A_57] : memref<65536xf32, #tpu.memory_space<vmem>>, vector<2000xf32>
    %add3A_59 = arith.addf %add3A_56, %get3A_58 : vector<2000xf32>
    %get3A_60 = arith.constant 26624 : index
    %get3A_61 = vector.load %arg2[%get3A_60] : memref<65536xf32, #tpu.memory_space<vmem>>, vector<2000xf32>
    %add3A_62 = arith.addf %add3A_59, %get3A_61 : vector<2000xf32>
    %get3A_63 = arith.constant 28672 : index
    %get3A_64 = vector.load %arg2[%get3A_63] : memref<65536xf32, #tpu.memory_space<vmem>>, vector<2000xf32>
    %add3A_65 = arith.addf %add3A_62, %get3A_64 : vector<2000xf32>
    %get3A_66 = arith.constant 30720 : index
    %get3A_67 = vector.load %arg2[%get3A_66] : memref<65536xf32, #tpu.memory_space<vmem>>, vector<2000xf32>
    %add3A_68 = arith.addf %add3A_65, %get3A_67 : vector<2000xf32>
    %get3A_69 = arith.constant 32768 : index
    %get3A_70 = vector.load %arg2[%get3A_69] : memref<65536xf32, #tpu.memory_space<vmem>>, vector<2000xf32>
    %add3A_71 = arith.addf %add3A_68, %get3A_70 : vector<2000xf32>
    %get3A_72 = arith.constant 34816 : index
    %get3A_73 = vector.load %arg2[%get3A_72] : memref<65536xf32, #tpu.memory_space<vmem>>, vector<2000xf32>
    %add3A_74 = arith.addf %add3A_71, %get3A_73 : vector<2000xf32>
    %get3A_75 = arith.constant 36864 : index
    %get3A_76 = vector.load %arg2[%get3A_75] : memref<65536xf32, #tpu.memory_space<vmem>>, vector<2000xf32>
    %add3A_77 = arith.addf %add3A_74, %get3A_76 : vector<2000xf32>
    %get3A_78 = arith.constant 38912 : index
    %get3A_79 = vector.load %arg2[%get3A_78] : memref<65536xf32, #tpu.memory_space<vmem>>, vector<2000xf32>
    %add3A_80 = arith.addf %add3A_77, %get3A_79 : vector<2000xf32>
    %get3A_81 = arith.constant 40960 : index
    %get3A_82 = vector.load %arg2[%get3A_81] : memref<65536xf32, #tpu.memory_space<vmem>>, vector<2000xf32>
    %add3A_83 = arith.addf %add3A_80, %get3A_82 : vector<2000xf32>
    %get3A_84 = arith.constant 43008 : index
    %get3A_85 = vector.load %arg2[%get3A_84] : memref<65536xf32, #tpu.memory_space<vmem>>, vector<2000xf32>
    %add3A_86 = arith.addf %add3A_83, %get3A_85 : vector<2000xf32>
    %get3A_87 = arith.constant 45056 : index
    %get3A_88 = vector.load %arg2[%get3A_87] : memref<65536xf32, #tpu.memory_space<vmem>>, vector<2000xf32>
    %add3A_89 = arith.addf %add3A_86, %get3A_88 : vector<2000xf32>
    %get3A_90 = arith.constant 47104 : index
    %get3A_91 = vector.load %arg2[%get3A_90] : memref<65536xf32, #tpu.memory_space<vmem>>, vector<2000xf32>
    %add3A_92 = arith.addf %add3A_89, %get3A_91 : vector<2000xf32>
    %get3A_93 = arith.constant 49152 : index
    %get3A_94 = vector.load %arg2[%get3A_93] : memref<65536xf32, #tpu.memory_space<vmem>>, vector<2000xf32>
    %add3A_95 = arith.addf %add3A_92, %get3A_94 : vector<2000xf32>
    %get3A_96 = arith.constant 51200 : index
    %get3A_97 = vector.load %arg2[%get3A_96] : memref<65536xf32, #tpu.memory_space<vmem>>, vector<2000xf32>
    %add3A_98 = arith.addf %add3A_95, %get3A_97 : vector<2000xf32>
    %get3A_99 = arith.constant 53248 : index
    %get3A_100 = vector.load %arg2[%get3A_99] : memref<65536xf32, #tpu.memory_space<vmem>>, vector<2000xf32>
    %add3A_101 = arith.addf %add3A_98, %get3A_100 : vector<2000xf32>
    %get3A_102 = arith.constant 55296 : index
    %get3A_103 = vector.load %arg2[%get3A_102] : memref<65536xf32, #tpu.memory_space<vmem>>, vector<2000xf32>
    %add3A_104 = arith.addf %add3A_101, %get3A_103 : vector<2000xf32>
    %get3A_105 = arith.constant 57344 : index
    %get3A_106 = vector.load %arg2[%get3A_105] : memref<65536xf32, #tpu.memory_space<vmem>>, vector<2000xf32>
    %add3A_107 = arith.addf %add3A_104, %get3A_106 : vector<2000xf32>
    %get3A_108 = arith.constant 59392 : index
    %get3A_109 = vector.load %arg2[%get3A_108] : memref<65536xf32, #tpu.memory_space<vmem>>, vector<2000xf32>
    %add3A_110 = arith.addf %add3A_107, %get3A_109 : vector<2000xf32>
    %get3A_111 = arith.constant 61440 : index
    %get3A_112 = vector.load %arg2[%get3A_111] : memref<65536xf32, #tpu.memory_space<vmem>>, vector<2000xf32>
    %add3A_113 = arith.addf %add3A_110, %get3A_112 : vector<2000xf32>
    %get3A_114 = arith.constant 63488 : index
    %get3A_115 = vector.load %arg2[%get3A_114] : memref<65536xf32, #tpu.memory_space<vmem>>, vector<2000xf32>
    %add3A_116 = arith.addf %add3A_113, %get3A_115 : vector<2000xf32>
    %broadcast_in_dim3A = vector.shape_cast %add3A_116 : vector<2000xf32> to vector<2000x1xf32>
    %mul3A = vector.broadcast %broadcast_in_dim3A : vector<2000x1xf32> to vector<2000x128xf32>
    %mul3A_117 = arith.mulf %tanh3A, %mul3A : vector<2000x128xf32>
    %get3A_118 = arith.constant 0 : index
    %get3A_119 = arith.constant 0 : index
    %get3A_120 = vector.load %arg7[%get3A_118, %get3A_119] : memref<50x128xf32, #tpu.memory_space<vmem>>, vector<50x128xf32>
    %dot_general3A_121 = arith.constant dense<0.000000e+00> : vector<2000x50xf32>
    %dot_general3A_122 = tpu.matmul %mul3A_117, %get3A_120, %dot_general3A_121 {dimension_numbers = #tpu.dot_dimension_numbers<[1], [1], [0], [0], [0, 0, 1, 0], [], []>, transpose_lhs_hint = false} : vector<2000x128xf32>, vector<50x128xf32>, vector<2000x50xf32> -> vector<2000x50xf32>
    %get3A_123 = arith.constant 0 : index
    %get3A_124 = arith.constant 0 : index
    %get3A_125 = vector.load %arg8[%get3A_123, %get3A_124] : memref<1x50xf32, #tpu.memory_space<vmem>>, vector<1x50xf32>
    %add3A_126 = vector.broadcast %get3A_125 : vector<1x50xf32> to vector<2000x50xf32>
    %add3A_127 = arith.addf %dot_general3A_122, %add3A_126 : vector<2000x50xf32>
    %max3A_128 = arith.constant 0.000000e+00 : f32
    %max3A_129 = vector.broadcast %max3A_128 : f32 to vector<2000x50xf32>
    %max3A_130 = arith.maximumf %add3A_127, %max3A_129 : vector<2000x50xf32>
    %get3A_131 = arith.constant 0 : index
    %get3A_132 = arith.constant 0 : index
    %get3A_133 = vector.load %arg9[%get3A_131, %get3A_132] : memref<1x50xf32, #tpu.memory_space<vmem>>, vector<1x50xf32>
    %mul3A_134 = vector.broadcast %get3A_133 : vector<1x50xf32> to vector<2000x50xf32>
    %mul3A_135 = arith.mulf %max3A_130, %mul3A_134 : vector<2000x50xf32>
    %reduce_sum3A = arith.constant dense<0.000000e+00> : vector<2000xf32>
    %reduce_sum3A_136 = vector.multi_reduction <add>, %mul3A_135, %reduce_sum3A [1] : vector<2000x50xf32> to vector<2000xf32>
    %broadcast_in_dim3A_137 = vector.shape_cast %reduce_sum3A_136 : vector<2000xf32> to vector<2000x1xf32>
    %get3A_138 = arith.constant 0 : index
    %get3A_139 = arith.constant 0 : index
    %get3A_140 = vector.load %arg10[%get3A_138, %get3A_139] : memref<1x1xf32, #tpu.memory_space<vmem>>, vector<1x1xf32>
    %add3A_141 = vector.broadcast %get3A_140 : vector<1x1xf32> to vector<2000x1xf32>
    %add3A_142 = arith.addf %broadcast_in_dim3A_137, %add3A_141 : vector<2000x1xf32>
    %logistic3A = arith.negf %add3A_142 : vector<2000x1xf32>
    %logistic3A_143 = math.exp %logistic3A : vector<2000x1xf32>
    %logistic3A_144 = arith.constant 1.000000e+00 : f32
    %logistic3A_145 = vector.broadcast %logistic3A_144 : f32 to vector<2000x1xf32>
    %logistic3A_146 = arith.addf %logistic3A_145, %logistic3A_143 : vector<2000x1xf32>
    %logistic3A_147 = arith.divf %logistic3A_145, %logistic3A_146 : vector<2000x1xf32>
    %transpose3A = tpu.transpose %logistic3A_147, [1, 0] : vector<2000x1xf32> -> vector<1x2000xf32>
    %reshape3A = vector.shape_cast %transpose3A : vector<1x2000xf32> to vector<1x1x2000xf32>
    %swap3A = arith.constant 0 : index
    %swap3A_148 = arith.constant 0 : index
    %swap3A_149 = arith.constant 0 : index
    %swap3A_150 = vector.load %arg11[%swap3A, %swap3A_148, %swap3A_149] : memref<1x1x2000xf32, #tpu.memory_space<vmem>>, vector<1x1x2000xf32>
    tpu.vector_store %arg11[%swap3A, %swap3A_148, %swap3A_149], %reshape3A {strides = array<i32>} : memref<1x1x2000xf32, #tpu.memory_space<vmem>>, vector<1x1x2000xf32>,
    return
  }
  func.func @transform_0(%arg0: i32) -> (i32, i32) {
    %c0_i32 = arith.constant 0 : i32
    %c0_i32_0 = arith.constant 0 : i32
    return %arg0, %c0_i32 : i32, i32
  }
  func.func @transform_1(%arg0: i32) -> i32 {
    %c0_i32 = arith.constant 0 : i32
    return %arg0 : i32
  }
  func.func @transform_2(%arg0: i32) -> (i32, i32) {
    %c0_i32 = arith.constant 0 : i32
    %c0_i32_0 = arith.constant 0 : i32
    %c0_i32_1 = arith.constant 0 : i32
    return %c0_i32, %c0_i32_0 : i32, i32
  }
  func.func @transform_3(%arg0: i32) -> (i32, i32) {
    %c0_i32 = arith.constant 0 : i32
    %c0_i32_0 = arith.constant 0 : i32
    %c0_i32_1 = arith.constant 0 : i32
    return %c0_i32, %c0_i32_0 : i32, i32
  }
  func.func @transform_4(%arg0: i32) -> (i32, i32) {
    %c0_i32 = arith.constant 0 : i32
    %c0_i32_0 = arith.constant 0 : i32
    %c0_i32_1 = arith.constant 0 : i32
    return %c0_i32, %c0_i32_0 : i32, i32
  }
  func.func @transform_5(%arg0: i32) -> (i32, i32) {
    %c0_i32 = arith.constant 0 : i32
    %c0_i32_0 = arith.constant 0 : i32
    %c0_i32_1 = arith.constant 0 : i32
    return %c0_i32, %c0_i32_0 : i32, i32
  }
  func.func @transform_6(%arg0: i32) -> (i32, i32) {
    %c0_i32 = arith.constant 0 : i32
    %c0_i32_0 = arith.constant 0 : i32
    %c0_i32_1 = arith.constant 0 : i32
    return %c0_i32, %c0_i32_0 : i32, i32
  }
  func.func @transform_7(%arg0: i32) -> (i32, i32) {
    %c0_i32 = arith.constant 0 : i32
    %c0_i32_0 = arith.constant 0 : i32
    %c0_i32_1 = arith.constant 0 : i32
    return %c0_i32, %c0_i32_0 : i32, i32
  }
  func.func @transform_8(%arg0: i32) -> (i32, i32) {
    %c0_i32 = arith.constant 0 : i32
    %c0_i32_0 = arith.constant 0 : i32
    %c0_i32_1 = arith.constant 0 : i32
    return %c0_i32, %c0_i32_0 : i32, i32
  }
  func.func @transform_9(%arg0: i32) -> (i32, i32) {
    %c0_i32 = arith.constant 0 : i32
    %c0_i32_0 = arith.constant 0 : i32
    %c0_i32_1 = arith.constant 0 : i32
    return %c0_i32, %c0_i32_0 : i32, i32
  }
  func.func @transform_10(%arg0: i32) -> (i32, i32, i32) {
    %c0_i32 = arith.constant 0 : i32
    %c0_i32_0 = arith.constant 0 : i32
    %c0_i32_1 = arith.constant 0 : i32
    return %arg0, %c0_i32, %c0_i32_0 : i32, i32, i32
  }
}

</mosaic_0001>

<sc_bundles>
// kernel: kernel.5.cloned.1.call-start
scs
__scs_entry_jumppad:
0x0: {  	(pc) =	sbr.rel $0x88, $3  }
0x1: {  	(tag) =	ssettag $0x0;
	lr =	simm.s32 $0x1  }
0x2: {  	[smem:$0x3F97] =	sst lr;
	_ =	strace $0xD0000000  }
0x3: {  	_ = 	snop  }
0x4: {  	_ = 	snop  }
0x5: {  	_ = 	snop  }
0x6: {  	_ = 	snop  }
0x7: {  	_ = 	snop  }
__scs_overlays_trampoline_lowered:
0x8: {  	[smem:$0x3FA6] =	sst s0  }
0x9: {  	[smem:$0x3FA7] =	sst s1  }
0xa: {  	[smem:$0x3FA8] =	sst s2  }
0xb: {  	[smem:$0x3FA9] =	sst s3  }
0xc: {  	[smem:$0x3FAA] =	sst s4  }
0xd: {  	[smem:$0x3FAB] =	sst s5  }
0xe: {  	[smem:$0x3FAC] =	sst s6  }
0xf: {  	[smem:$0x3FAD] =	sst s7  }
0x10: {  	[smem:$0x3FAE] =	sst s8  }
0x11: {  	[smem:$0x3FAF] =	sst s9;
	s0 =	simm.s32 @!p0 $0x0  }
0x12: {  	s1 =	sld [smem:$0x3F95];
	s0 =	simm.s32 @p0 $0x1  }
0x13: {  	[smem:$0x3FB0] =	sst s0;
	s0 =	simm.s32 @!p1 $0x0  }
0x14: {  	s2 =	sld [smem:$0x3F94];
	s0 =	simm.s32 @p1 $0x1  }
0x15: {  	[smem:$0x3FB1] =	sst s0;
	s0 =	simm.s32 @!p2 $0x0  }
0x16: {  	s3 =	sld [smem:$0x3FDB];
	s0 =	simm.s32 @p2 $0x1  }
0x17: {  	s4 =	simm.s32 $0x1BF5;
	[smem:$0x3FB3] =	sst s0  }
0x18: {  	s0 =	sld [smem:$0x3F96];
	_ =	swait.ge [sflag:s4], $0x0  }
0x19: {  	s7 =	sld [smem:$0x3F97]  }
0x1a: {  	s8 =	sadd.s32 $0xFFFFE003, lr  }
0x1b: {  	s9 =	sadd.s32 $0xFFFFFEF7, lr;
	s5 =	simm.s32 $0xFFFFFFFF;
	p2 =	slt.u32 s8, $0xFFFFF086  }
0x1c: {  	p1 =	slt.u32 s9, $0xF7A;
	s5 =	simm.s32 @!p2 $0x0  }
0x1d: {  	s5 =	simm.s32 @p1 $0x1;
	p0 =	seq.s32 s7, s2  }
0x1e: {  	s7 =	smul.u32 @!p0 $0xF7A, s2;
	p2 =	seq.s32 @!p0 s5, $0x0  }
0x1f: {  	s9 =	smul.u32 $0xF7A, s1;
	s8 =	simm.s32 @!p0 $0x1BF5;
	p2 =	por !p2, p0  }
0x20: {  	[sflag:s8] =	ssyncset.s32 @!p0 $0xFFFFF086;
	s6 =	sadd.s32 @!p0 s3, s7;
	s7 =	simm.s32 @!p0 $0x108  }
0x21: {  	s3 =	sadd.s32 s3, s9;
	s6 =	sadd.s32 @!p0 $0x88, s6;
	s7 =	simm.s32 @p2 $0x1082  }
0x22: {  	[simem:s7], [sflag:s8] =	dma.local @!p0 [hbm:s6], $0xF7A  }
0x23: {  	s9 =	sor.u32 $0xD0000000, s2;
	s6 =	simm.s32 $0x108;
	_ =	swait.ge @!p0 [sflag:s8], $0x0  }
0x24: {  	s3 =	sadd.s32 $0x88, s3;
	s6 =	simm.s32 @!p1 $0x1082;
	[sflag:s4] =	ssyncset.s32 $0xFFFFF086  }
0x25: {  	[simem:s6], [sflag:s4] =	dma.local [hbm:s3], $0xF7A  }
0x26: {  	[smem:$0x3F97] =	sst s1;
	(tag) =	ssettag s2;
	_ =	strace s9  }
0x27: {  	s1 =	sld [smem:$0x3FA7]  }
0x28: {  	s2 =	sld [smem:$0x3FA8]  }
0x29: {  	s4 =	sld [smem:$0x3FAA]  }
0x2a: {  	p0 =	seq.s32 s5, $0x0;
	s5 =	sld [smem:$0x3FAB]  }
0x2b: {  	s6 =	sld [smem:$0x3FAC]  }
0x2c: {  	s7 =	sld [smem:$0x3FAD]  }
0x2d: {  	s3 =	simm.s32 $0x108;
	s8 =	sld [smem:$0x3FAE]  }
0x2e: {  	s3 =	simm.s32 @!p0 $0x1082;
	s9 =	sld [smem:$0x3FAF]  }
0x2f: {  	lr =	sadd.s32 s0, s3;
	s0 =	sld [smem:$0x3FA6]  }
0x30: {  	s3 =	sld [smem:$0x3FA9]  }
0x31: {  	[smem:$0x3FB2] =	sst s10  }
0x32: {  	s10 =	sld [smem:$0x3FB0];
	_ =	sdelay $0x3  }
0x33: {  	p0 =	seq.s32 s10, $0x1;
	s10 =	sld [smem:$0x3FB2];
	_ =	sdelay $0x3  }
0x34: {  	[smem:$0x3FB2] =	sst s10  }
0x35: {  	s10 =	sld [smem:$0x3FB1];
	_ =	sdelay $0x3  }
0x36: {  	p1 =	seq.s32 s10, $0x1;
	s10 =	sld [smem:$0x3FB2];
	_ =	sdelay $0x3  }
0x37: {  	[smem:$0x3FB2] =	sst s10  }
0x38: {  	s10 =	sld [smem:$0x3FB3]  }
0x39: {  	_ = 	snop;
	(pc) =	sbr.ind lr, $3  }
0x3a: {  	_ = 	snop  }
0x3b: {  	_ = 	snop  }
0x3c: {  	p2 =	seq.s32 s10, $0x1;
	s10 =	sld [smem:$0x3FB2]  }
0x3d: {  	_ =	shalt  }
0x3e: {  	_ =	shalt  }
0x3f: {  	_ =	shalt  }
0x40: {  	_ =	shalt  }
0x41: {  	_ =	shalt  }
0x42: {  	_ =	shalt  }
0x43: {  	_ =	shalt  }
0x44: {  	_ =	shalt  }
0x45: {  	_ =	shalt  }
0x46: {  	_ =	shalt  }
0x47: {  	_ =	shalt  }
0x48: {  	_ =	shalt  }
0x49: {  	_ =	shalt  }
0x4a: {  	_ =	shalt  }
0x4b: {  	_ =	shalt  }
0x4c: {  	_ =	shalt  }
0x4d: {  	_ =	shalt  }
0x4e: {  	_ =	shalt  }
0x4f: {  	_ =	shalt  }
0x50: {  	_ =	shalt  }
0x51: {  	_ =	shalt  }
0x52: {  	_ =	shalt  }
0x53: {  	_ =	shalt  }
0x54: {  	_ =	shalt  }
0x55: {  	_ =	shalt  }
0x56: {  	_ =	shalt  }
0x57: {  	_ =	shalt  }
0x58: {  	_ =	shalt  }
0x59: {  	_ =	shalt  }
0x5a: {  	_ =	shalt  }
0x5b: {  	_ =	shalt  }
0x5c: {  	_ =	shalt  }
0x5d: {  	_ =	shalt  }
0x5e: {  	_ =	shalt  }
0x5f: {  	_ =	shalt  }
0x60: {  	_ =	shalt  }
0x61: {  	_ =	shalt  }
0x62: {  	_ =	shalt  }
0x63: {  	_ =	shalt  }
0x64: {  	_ =	shalt  }
0x65: {  	_ =	shalt  }
0x66: {  	_ =	shalt  }
0x67: {  	_ =	shalt  }
0x68: {  	_ =	shalt  }
0x69: {  	_ =	shalt  }
0x6a: {  	_ =	shalt  }
0x6b: {  	_ =	shalt  }
0x6c: {  	_ =	shalt  }
0x6d: {  	_ =	shalt  }
0x6e: {  	_ =	shalt  }
0x6f: {  	_ =	shalt  }
0x70: {  	_ =	shalt  }
0x71: {  	_ =	shalt  }
0x72: {  	_ =	shalt  }
0x73: {  	_ =	shalt  }
0x74: {  	_ =	shalt  }
0x75: {  	_ =	shalt  }
0x76: {  	_ =	shalt  }
0x77: {  	_ =	shalt  }
0x78: {  	_ =	shalt  }
0x79: {  	_ =	shalt  }
0x7a: {  	_ =	shalt  }
0x7b: {  	_ =	shalt  }
0x7c: {  	_ =	shalt  }
0x7d: {  	_ =	shalt  }
0x7e: {  	_ =	shalt  }
0x7f: {  	_ =	shalt  }
0x80: {  	_ =	shalt  }
0x81: {  	_ =	shalt  }
0x82: {  	_ =	shalt  }
0x83: {  	_ =	shalt  }
0x84: {  	_ =	shalt  }
0x85: {  	_ =	shalt  }
0x86: {  	_ =	shalt  }
0x87: {  	_ =	shalt  }
.Lfunc_end0:
.L_simem_size_0:
called_computation_lowered:
.L_overlay_start_0:
0x88: {  	s2 =	sld [smem:$0x3FD9]  }
0x89: {  	s3 =	sld [smem:$0x3FFE];
	_ =	sdelay $0x1  }
0x8a: {  	s1 =	srdreg.scid  }
0x8b: {  	s0 =	sand.u32 $0x1, s1  }
0x8c: {  	s16 =	sshll.u32 s0, $0xA;
	s2 =	sadd.s32 s3, s2  }
0x8d: {  	s2 =	sadd.s32 s2, s16  }
0x8e: {  	[smem:$0x3FBE] =	sst s2  }
0x8f: {  	_ = 	snop  }
0x90: {  	(tm) =	ssettm $0x1  }
0x91: {  	s17 =	sld [smem:$0x3FFB];
	_ =	sdelay $0x3  }
0x92: {  	_ =	strace s17  }
0x93: {  	s2 =	sld [smem:$0x3FFC];
	_ =	sdelay $0x3  }
0x94: {  	_ =	strace s2  }
0x95: {  	s2 =	sld [smem:$0x3FFD];
	_ =	sdelay $0x3  }
0x96: {  	_ =	strace s2  }
0x97: {  	_ =	strace $0x8FFFFFFF  }
0x98: {  	s18 =	sld [smem:$0x3FDB];
	_ =	sdelay $0x1  }
0x99: {  	s19 =	simm.s32 $_scs_section_size  }
0x9a: {  	s4 =	simm.s32 $_size__tile_overlayer_lowered;
	s5 =	simm.s32 $_tile_overlayer_lowered  }
0x9b: {  	s22 =	simm.s32 $0x1BFF;
	s21 =	sshll.u32 s5, $0x1;
	s2 =	sadd.s32 s19, s18  }
0x9c: {  	s6 =	simm.s32 $0x0;
	s20 =	sshll.u32 s4, $0x1;
	s4 =	sadd.s32 s21, s2  }
0x9d: {  	[timem:s6], [sflag:s22] =	dma.local [hbm:s4], s20  }
0x9e: {  	_ =	swait.ge [sflag:s22], s20  }
0x9f: {  	s3 =	ssub.s32 $0x0, s20;
	[sflag:s22] =	ssyncset.done $0x0  }
0xa0: {  	[sflag:s22] =	ssyncadd.s32 s3;
	_ =	sdelay $0x1  }
0xa1: {  	s23 =	simm.s32 $0x1B8B  }
0xa2: {  	_ =	swait.ge [sflag:s23], $0x1  }
0xa3: {  	[sflag:s23] =	ssyncset.done $0x0  }
0xa4: {  	s25 =	simm.s32 $0x1B8E;
	s24 =	sld [smem:$0x3FFE];
	[sflag:s23] =	ssyncadd.s32 $0xFFFFFFFF  }
0xa5: {  	s26 =	simm.s32 $execute0_lowered;
	[smem:$0x3FD2] =	sst s25  }
0xa6: {  	s4 =	sshll.u32 s26, $0x1;
	_ =	strace $0x80000046;
	[dreg:$0x1] =	wrdreg $0xFFFFFFFF  }
0xa7: {  	s28 =	simm.s32 $_size_execute0_lowered;
	s2 =	sadd.s32 s2, s4;
	[dreg:$0x0] =	wrdreg $0x0  }
0xa8: {  	s4 =	sshll.u32 s28, $0x1;
	[dreg:$0x2] =	wrdreg s2  }
0xa9: {  	[dreg:$0x3] =	wrdreg s4  }
0xaa: {  	[dreg:$0x4] =	wrdreg $0xC0  }
0xab: {  	_ =	task [dreg:s6], $0x5FFFF  }
0xac: {  	[dreg:$0x1] =	wrdreg $0xFFFFFFFF  }
0xad: {  	[dreg:$0x0] =	wrdreg $0x60  }
0xae: {  	[dreg:$0x2] =	wrdreg s24  }
0xaf: {  	[dreg:$0x3] =	wrdreg $0x9  }
0xb0: {  	_ =	task.clear_ibuf [dreg:s6], $0x4FFFF;
	_ =	strace $0x90000046  }
0xb1: {  	s29 =	simm.s32 $0x9;
	_ =	strace $0x80000048  }
0xb2: {  	_ =	swait.ge [sflag:s29], $0x1  }
0xb3: {  	[sflag:s29] =	ssyncadd.s32 $0xFFFFFFFF  }
0xb4: {  	_ =	strace $0x90000048  }
0xb5: {  	_ =	sfence  }
0xb6: {  	s30 =	sld [smem:$0x0];
	_ =	sdelay $0x2  }
0xb7: {  	s31 =	sshll.u32 s1, $0xD;
	s1 =	sshrl.u32 s1, $0x2  }
0xb8: {  	s3 =	sand.u32 $0x4000, s31;
	s1 =	sadd.s32 s1, s30  }
0xb9: {  	s0 =	sor.u32 s3, s0;
	s1 =	sshll.u32 s1, $0x11  }
0xba: {  	s0 =	sor.u32 s1, s0  }
0xbb: {  	s0 =	sadd.s32 $0x8F2B, s0  }
0xbc: {  	[sflag:s0] =	ssyncadd.remote.s32 $0x1  }
0xbd: {  	_ =	sfence.sel $0xFFFF  }
0xbe: {  	[dreg:$0x0] =	wrdreg $0xFFFFFFFF;
	(pc) =	sbr.abs _section_cstart, $3  }
0xbf: {  	[dreg:$0x1] =	wrdreg $0xFFFFFFFF  }
0xc0: {  	_ =	task.clear_ibuf [dreg:s6], $0x2FFFF;
	_ =	strace $0x9FFFFFFF  }
0xc1: {  	(tm) =	ssettm $0x7FFFFFFF  }
tec
execute0_lowered:
.L_overlay_start_1:
0x0: {  	(tag) =	ssettag $0x1  }
0x1: {  	s1 =	srdreg.scid;
	s0 =	stileid.u32  }
0x2: {  	s3 =	rddreg [dreg:$0x0];
	s2 =	simm.s32 $0x0;
	s10 =	simm.s32 $0x1  }
0x3: {  	s11 =	simm.s32 $0x2710;
	s12 =	simm.s32 $0x2;
	s13 =	simm.s32 $0x2EE0  }
0x4: {  	s14 =	simm.s32 $0x36B0;
	s15 =	simm.s32 $0x3E80;
	s16 =	simm.s32 $0x4650  }
0x5: {  	s4 =	sand.u32 $0x1, s1;
	s5 =	sshll.u32 s0, $0x1;
	s1 =	rddreg [dreg:$0x1]  }
0x6: {  	s17 =	simm.s32 $0x0;
	[smem:$0x7FF] =	sst s2;
	s5 =	sor.u32 s4, s5  }
0x7: {  	s4 =	ssub.s32 $0x2, s4;
	s6 =	smul.u32 $0x4E2, s5;
	s5 =	sshll.u32 s5, $0x8  }
0x8: {  	_ =	strace $0x80000047;
	s7 =	sshrl.u32 s4, $0x1;
	s8 =	sadd.s32 s5, s3  }
0x9: {  	s9 =	ssub.s32 s4, s7;
	s6 =	sadd.s32 s6, s3;
	s4 =	sadd.s32 $0xBA00, s8  }
0xa: {  	s5 =	sadd.s32 $0xDA00, s8;
	s7 =	sadd.s32 $0x11A00, s8;
	s9 =	smax.u32 s9, $0x1  }
0xb: {  	v0 =	vimm.f32 $0.0e+00;
	v1 =	vimm.f32 $1.000000000e+00;
	s3 =	sadd.s32 $0x1C00, s6;
	s6 =	sadd.s32 $0xFA00, s8;
	s8 =	sadd.s32 $0x13A00, s8  }
.LBB2_1:
0xc: {  	[tilespmem:s2], [sflag:$0x1] =	stream.linear.gather [hbm4b:s3+s2], $0x2710, $0x38;
	[tilespmem:$0x4E20] =	vst v63  }
0xd: {  	s18 =	simm.s32 $0x2790  }
0xe: {  	[tilespmem:s18+$0xFFFFFF80] =	vst v0  }
0xf: {  	[tilespmem:s18+$0x70] =	vst v0  }
0x10: {  	[tilespmem:s18+$0x60] =	vst v0  }
0x11: {  	[tilespmem:s18+$0x50] =	vst v0  }
0x12: {  	[tilespmem:s18+$0x40] =	vst v0  }
0x13: {  	[tilespmem:s18+$0x30] =	vst v0  }
0x14: {  	[tilespmem:s18+$0x20] =	vst v0  }
0x15: {  	[tilespmem:s18+$0x10] =	vst v0  }
0x16: {  	[tilespmem:s18+$0x0] =	vst v0  }
0x17: {  	[tilespmem:s18+$0xFFFFFFF0] =	vst v0  }
0x18: {  	[tilespmem:s18+$0xFFFFFFE0] =	vst v0  }
0x19: {  	[tilespmem:s18+$0xFFFFFFD0] =	vst v0  }
0x1a: {  	[tilespmem:s18+$0xFFFFFFC0] =	vst v0  }
0x1b: {  	[tilespmem:s18+$0xFFFFFFB0] =	vst v0  }
0x1c: {  	s19 =	simm.s32 $0x0;
	[tilespmem:s18+$0xFFFFFFA0] =	vst v0  }
.LBB2_2:
0x1d: {  	s19 =	sadd.s32 $0x10, s19;
	[tilespmem:s18+$0xFFFFFF90] =	vst v0;
	s18 =	sadd.s32 $0x100, s18  }
0x1e: {  	[tilespmem:s18+$0xFFFFFF80] =	vst v0;
	p0 =	slt.u32 s19, $0x260  }
0x1f: {  	[tilespmem:s18+$0x70] =	vst v0  }
0x20: {  	[tilespmem:s18+$0x60] =	vst v0  }
0x21: {  	[tilespmem:s18+$0x50] =	vst v0  }
0x22: {  	[tilespmem:s18+$0x40] =	vst v0  }
0x23: {  	[tilespmem:s18+$0x30] =	vst v0  }
0x24: {  	[tilespmem:s18+$0x20] =	vst v0  }
0x25: {  	[tilespmem:s18+$0x10] =	vst v0  }
0x26: {  	[tilespmem:s18+$0x0] =	vst v0  }
0x27: {  	[tilespmem:s18+$0xFFFFFFF0] =	vst v0  }
.Ltmp0:
0x28: {  	[tilespmem:s18+$0xFFFFFFE0] =	vst v0;
	(pc) =	sbr.rel @p0 .LBB2_2-.Ltmp0, $4  }
0x29: {  	[tilespmem:s18+$0xFFFFFFD0] =	vst v0  }
0x2a: {  	[tilespmem:s18+$0xFFFFFFC0] =	vst v0  }
0x2b: {  	[tilespmem:s18+$0xFFFFFFB0] =	vst v0  }
0x2c: {  	[tilespmem:s18+$0xFFFFFFA0] =	vst v0  }
0x2d: {  	[tilespmem:s18+$0xFFFFFF90] =	vst v0  }
0x2e: {  	[tilespmem:$0x4E10] =	vst v0  }
0x2f: {  	_ =	swait.ge [sflag:s10], $0x2710  }
0x30: {  	[sflag:s10] =	ssyncset.done $0x0  }
0x31: {  	s18 =	simm.s32 $0xFFFFFFF0;
	s19 =	simm.s32 $0x80;
	[sflag:s10] =	ssyncadd.s32 $0xFFFFD8F0  }
.LBB2_4:
0x32: {  	v2 =	vld [tilespmem:s19+$0xFFFFFF80];
	_ =	sdelay $0x7  }
0x33: {  	[tilespmem:v2+s11+$0x0] =	vst.idx.add.f32.msk $0xffff, v1  }
0x34: {  	v2 =	vld [tilespmem:s19+$0xFFFFFF90];
	_ =	sdelay $0x7  }
0x35: {  	[tilespmem:v2+s11+$0x0] =	vst.idx.add.f32.msk $0xffff, v1  }
0x36: {  	v2 =	vld [tilespmem:s19+$0xFFFFFFA0];
	_ =	sdelay $0x7  }
0x37: {  	[tilespmem:v2+s11+$0x0] =	vst.idx.add.f32.msk $0xffff, v1  }
0x38: {  	v2 =	vld [tilespmem:s19+$0xFFFFFFB0];
	_ =	sdelay $0x7  }
0x39: {  	[tilespmem:v2+s11+$0x0] =	vst.idx.add.f32.msk $0xffff, v1  }
0x3a: {  	v2 =	vld [tilespmem:s19+$0xFFFFFFC0];
	_ =	sdelay $0x7  }
0x3b: {  	[tilespmem:v2+s11+$0x0] =	vst.idx.add.f32.msk $0xffff, v1  }
0x3c: {  	v2 =	vld [tilespmem:s19+$0xFFFFFFD0];
	_ =	sdelay $0x7  }
0x3d: {  	[tilespmem:v2+s11+$0x0] =	vst.idx.add.f32.msk $0xffff, v1  }
0x3e: {  	v2 =	vld [tilespmem:s19+$0xFFFFFFE0];
	_ =	sdelay $0x7  }
0x3f: {  	[tilespmem:v2+s11+$0x0] =	vst.idx.add.f32.msk $0xffff, v1  }
0x40: {  	v2 =	vld [tilespmem:s19+$0xFFFFFFF0];
	_ =	sdelay $0x7  }
0x41: {  	[tilespmem:v2+s11+$0x0] =	vst.idx.add.f32.msk $0xffff, v1  }
0x42: {  	v2 =	vld [tilespmem:s19+$0x0];
	_ =	sdelay $0x7  }
0x43: {  	[tilespmem:v2+s11+$0x0] =	vst.idx.add.f32.msk $0xffff, v1  }
0x44: {  	v2 =	vld [tilespmem:s19+$0x10];
	_ =	sdelay $0x7  }
0x45: {  	[tilespmem:v2+s11+$0x0] =	vst.idx.add.f32.msk $0xffff, v1  }
0x46: {  	v2 =	vld [tilespmem:s19+$0x20];
	_ =	sdelay $0x7  }
0x47: {  	[tilespmem:v2+s11+$0x0] =	vst.idx.add.f32.msk $0xffff, v1  }
0x48: {  	v2 =	vld [tilespmem:s19+$0x30];
	_ =	sdelay $0x7  }
0x49: {  	[tilespmem:v2+s11+$0x0] =	vst.idx.add.f32.msk $0xffff, v1  }
0x4a: {  	v2 =	vld [tilespmem:s19+$0x40];
	_ =	sdelay $0x7  }
0x4b: {  	[tilespmem:v2+s11+$0x0] =	vst.idx.add.f32.msk $0xffff, v1  }
0x4c: {  	v2 =	vld [tilespmem:s19+$0x50];
	_ =	sdelay $0x7  }
0x4d: {  	[tilespmem:v2+s11+$0x0] =	vst.idx.add.f32.msk $0xffff, v1  }
0x4e: {  	v2 =	vld [tilespmem:s19+$0x60];
	_ =	sdelay $0x7  }
0x4f: {  	[tilespmem:v2+s11+$0x0] =	vst.idx.add.f32.msk $0xffff, v1  }
0x50: {  	v2 =	vld [tilespmem:s19+$0x70];
	_ =	sdelay $0x1  }
0x51: {  	s18 =	sadd.s32 $0x10, s18  }
0x52: {  	p0 =	slt.u32 s18, $0x260  }
.Ltmp1:
0x53: {  	_ = 	snop;
	(pc) =	sbr.rel @p0 .LBB2_4-.Ltmp1, $2  }
0x54: {  	_ =	sdelay $0x2  }
0x55: {  	s19 =	sadd.s32 $0x100, s19;
	[tilespmem:v2+s11+$0x0] =	vst.idx.add.f32.msk $0xffff, v1  }
0x56: {  	v2 =	vld [tilespmem:$0x2700];
	_ =	sdelay $0x7  }
0x57: {  	[tilespmem:v2+s11+$0x0] =	vst.idx.add.f32.msk $0xffff, v1  }
0x58: {  	[hbm4b:s4+s2] =	stream.linear.scatter [tilespmem:s11], [sflag:$0x2], $0x7D0, $0x38;
	[tilespmem:$0x4E20] =	vst v63  }
0x59: {  	_ =	swait.ge [sflag:s12], $0x7D0  }
0x5a: {  	[sflag:s12] =	ssyncset.done $0x0  }
0x5b: {  	[sflag:s12] =	ssyncadd.s32 $0xFFFFF830  }
0x5c: {  	[hbm4b:s5+s2] =	stream.linear.scatter [tilespmem:s13], [sflag:$0x2], $0x7D0, $0x38;
	[tilespmem:$0x4E20] =	vst v63  }
0x5d: {  	_ =	swait.ge [sflag:s12], $0x7D0  }
0x5e: {  	[sflag:s12] =	ssyncset.done $0x0  }
0x5f: {  	[sflag:s12] =	ssyncadd.s32 $0xFFFFF830  }
0x60: {  	[hbm4b:s6+s2] =	stream.linear.scatter [tilespmem:s14], [sflag:$0x2], $0x7D0, $0x38;
	[tilespmem:$0x4E20] =	vst v63  }
0x61: {  	_ =	swait.ge [sflag:s12], $0x7D0  }
0x62: {  	[sflag:s12] =	ssyncset.done $0x0  }
0x63: {  	[sflag:s12] =	ssyncadd.s32 $0xFFFFF830  }
0x64: {  	[hbm4b:s7+s2] =	stream.linear.scatter [tilespmem:s15], [sflag:$0x2], $0x7D0, $0x38;
	[tilespmem:$0x4E20] =	vst v63  }
0x65: {  	s17 =	sadd.s32 $0x1, s17;
	_ =	swait.ge [sflag:s12], $0x7D0  }
0x66: {  	p0 =	sne.s32 s17, s9;
	[sflag:s12] =	ssyncset.done $0x0  }
.Ltmp2:
0x67: {  	[sflag:s12] =	ssyncadd.s32 $0xFFFFF830;
	(pc) =	sbr.rel @p0 .LBB2_1-.Ltmp2, $4  }
0x68: {  	[hbm4b:s8+s2] =	stream.linear.scatter [tilespmem:s16], [sflag:$0x2], $0x7D0, $0x38;
	[tilespmem:$0x4E20] =	vst v63  }
0x69: {  	_ =	swait.ge [sflag:s12], $0x7D0  }
0x6a: {  	[sflag:s12] =	ssyncset.done $0x0  }
0x6b: {  	[sflag:s12] =	ssyncadd.s32 $0xFFFFF830  }
0x6c: {  	_ =	sfence.sel $0x180000  }
0x6d: {  	[bflag:$0x0] =	sbarrier.arrive $0xFFFF  }
0x6e: {  	p0 =	sne.s32 s0, $0x0;
	_ =	strace $0x90000047  }
0x6f: {  	s0 =	sadd.s32 @!p0 $0x100000, s1;
	[bflag:$0x2] =	sbarrier.arrive $0xFFFF  }
0x70: {  	[sflag:s0] =	ssyncadd.tile.s32 @!p0 $0x1;
	_ =	shalt  }
.Lfunc_end2:
_tile_overlayer_lowered:
.L_overlay_start_2:
0x71: {  	(tag) =	ssettag $0x2  }
0x72: {  	s0 =	rddreg [dreg:$0x0];
	s2 =	stileid.u32  }
0x73: {  	s1 =	rddreg [dreg:$0x1];
	p0 =	sne.s32 s2, $0x0  }
0x74: {  	s3 =	rddreg [dreg:$0x2];
	[bflag:$0x3] =	sbarrier.arrive $0xFFFF;
	s2 =	simm.s32 @!p0 $0x1C02  }
0x75: {  	[timem:s3], [sflag:s2] =	dma.local @!p0 [hbm:s0], s1  }
0x76: {  	s0 =	simm.s32 @!p0 $0x2  }
0x77: {  	_ =	swait.ge @!p0 [sflag:s0], s1  }
0x78: {  	s1 =	ssub.s32 @!p0 $0x0, s1;
	[sflag:s0] =	ssyncset.done @!p0 $0x0  }
0x79: {  	[sflag:s0] =	ssyncadd.s32 @!p0 s1  }
0x7a: {  	[bflag:$0x3] =	sbarrier.arrive $0xFFFF  }
0x7b: {  	_ =	shalt  }

</sc_bundles>
